<compile_context>
chip_gen: v7x
topology: tpu7x:2x2x1
jax: 0.10.2.dev20260603
libtpu: 0.0.44.dev20260713+nightly
codegen_flags: <defaults>
</compile_context>

<pallas_src>
import jax
import jax.numpy as jnp
from jax import lax
from jax.experimental import pallas as pl
from jax.experimental.pallas import tpu as pltpu
from jax.experimental.pallas import tpu_sc as plsc

B = 2048
D = 64
K = 1024
NC = 2
NS = 16
NW = NC * NS
BPW = B // NW
NG = BPW // 16
DPS = D // NS


def _som_sc_body(x_hbm, w_hbm, loc_hbm, loc_out, mind2_out, stats_hbm,
                 x_v, w_v, loc_v, stats_loc, stats_all, m_arr, v_arr,
                 x_sk, outloc_v, mind2_v, sem, sem2, sem3):
    c = lax.axis_index("c")
    s = lax.axis_index("s")
    wid = c * NS + s
    base = wid * BPW
    lane = lax.iota(jnp.int32, 16)
    izero16 = jnp.zeros((16,), jnp.int32)

    cp_x = pltpu.async_copy(x_hbm.at[pl.ds(base, BPW)], x_v, sem)
    cp_loc = pltpu.async_copy(loc_hbm.at[pl.ds(0, D)], loc_v, sem2)

    pltpu.sync_copy(w_hbm.at[pl.ds(s * DPS, DPS)], w_v)

    zero16 = jnp.zeros((16,), jnp.float32)

    @plsc.parallel_loop(0, K // 16, unroll=4, carry=(zero16,) * (4 * DPS))
    def _stats_loop(i, carry):
        accs = list(carry[:2 * DPS])
        comps = list(carry[2 * DPS:])
        off = i * 16
        for j in range(DPS):
            v = w_v[j, pl.ds(off, 16)]
            for t_, term in ((2 * j, v), (2 * j + 1, v * v)):
                y = term - comps[t_]
                snew = accs[t_] + y
                comps[t_] = (snew - accs[t_]) - y
                accs[t_] = snew
        return tuple(accs) + tuple(comps)

    accs = _stats_loop[:2 * DPS]
    stats_vec = zero16
    for j in range(DPS):
        s_sum = jnp.sum(accs[2 * j])
        q_sum = jnp.sum(accs[2 * j + 1])
        m_d = s_sum * (1.0 / K)
        v_d = q_sum - s_sum * m_d
        stats_vec = jnp.where(lane == 2 * j, m_d, stats_vec)
        stats_vec = jnp.where(lane == 2 * j + 1, v_d, stats_vec)
    stats_loc[...] = stats_vec
    cp_st = pltpu.async_copy(stats_loc, stats_hbm.at[s], sem3)

    cp_x.wait()

    @plsc.parallel_loop(0, BPW, unroll=2)
    def _skew_loop(b):
        bfull = izero16 + b
        for c2 in range(D // 16):
            colv = jnp.bitwise_and(lane + (16 * c2 - b), D - 1)
            gsk = plsc.load_gather(x_v, [bfull, colv])
            x_sk[pl.ds(b * D + 16 * c2, 16)] = gsk

    cp_st.wait()
    plsc.subcore_barrier()
    pltpu.sync_copy(stats_hbm, stats_all)

    for ch in range(D // 16):
        dvec = lane + ch * 16
        rowi = lax.shift_right_logical(dvec, 2)
        coli = lax.shift_left(jnp.bitwise_and(dvec, 3), 1)
        m_arr[pl.ds(ch * 16, 16)] = plsc.load_gather(stats_all, [rowi, coli])
        v_arr[pl.ds(ch * 16, 16)] = plsc.load_gather(stats_all, [rowi, coli + 1])

    cp_loc.wait()

    rows = [lane + 16 * g for g in range(NG)]
    rowbase = [rows[g] * D for g in range(NG)]
    inf16 = jnp.full((16,), jnp.inf, jnp.float32)

    @plsc.parallel_loop(0, D, unroll=4,
                        carry=(inf16,) * NG + (izero16,) * NG)
    def _search_loop(d, carry):
        vmins = list(carry[:NG])
        vidxs = list(carry[NG:])
        dfull = izero16 + d
        mvec = plsc.load_gather(m_arr, [dfull])
        vvec = plsc.load_gather(v_arr, [dfull])
        for g in range(NG):
            xc = plsc.load_gather(
                x_sk, [rowbase[g] + jnp.bitwise_and(dfull + rows[g], D - 1)])
            t = (xc - mvec) + 1e-6
            dist2 = (t * t) * float(K) + vvec
            lt = dist2 < vmins[g]
            vmins[g] = jnp.where(lt, dist2, vmins[g])
            vidxs[g] = jnp.where(lt, dfull, vidxs[g])
        return tuple(vmins) + tuple(vidxs)

    carry = _search_loop
    vmins, vidxs = carry[:NG], carry[NG:]

    ones = izero16 + 1
    for g in range(NG):
        gx = plsc.load_gather(loc_v, [vidxs[g], izero16])
        gy = plsc.load_gather(loc_v, [vidxs[g], ones])
        plsc.store_scatter(outloc_v, [rows[g], izero16], gx)
        plsc.store_scatter(outloc_v, [rows[g], ones], gy)
        mind2_v[pl.ds(16 * g, 16)] = vmins[g]
    cp_o1 = pltpu.async_copy(outloc_v, loc_out.at[pl.ds(base, BPW)], sem)
    cp_o2 = pltpu.async_copy(mind2_v, mind2_out.at[pl.ds(base, BPW)], sem2)
    cp_o1.wait()
    cp_o2.wait()


_som_sc = pl.kernel(
    _som_sc_body,
    out_type=[
        jax.ShapeDtypeStruct((B, 2), jnp.float32),
        jax.ShapeDtypeStruct((B,), jnp.float32),
        jax.ShapeDtypeStruct((NS, 16), jnp.float32),
    ],
    mesh=plsc.VectorSubcoreMesh(core_axis_name="c", subcore_axis_name="s",
                                num_cores=NC, num_subcores=NS),
    compiler_params=pltpu.CompilerParams(needs_layout_passes=False,
                                         disable_bounds_checks=True,
                                         skip_device_barrier=True),
    scratch_types=[
        pltpu.VMEM((BPW, D), jnp.float32),
        pltpu.VMEM((DPS, K), jnp.float32),
        pltpu.VMEM((D, 2), jnp.float32),
        pltpu.VMEM((16,), jnp.float32),
        pltpu.VMEM((NS, 16), jnp.float32),
        pltpu.VMEM((D,), jnp.float32),
        pltpu.VMEM((D,), jnp.float32),
        pltpu.VMEM((BPW * D,), jnp.float32),
        pltpu.VMEM((BPW, 2), jnp.float32),
        pltpu.VMEM((BPW,), jnp.float32),
        pltpu.SemaphoreType.DMA,
        pltpu.SemaphoreType.DMA,
        pltpu.SemaphoreType.DMA,
    ],
)


def _loss_body(d2_ref, o_ref):
    total = jnp.sum(jnp.sqrt(d2_ref[...])) * (1.0 / B)
    o_ref[...] = total.reshape(1, 1)


_loss_tc = pl.pallas_call(
    _loss_body,
    out_shape=jax.ShapeDtypeStruct((1, 1), jnp.float32),
)


def kernel(input, weight, locations):
    bmu2, mind2, _ = _som_sc(input, weight, locations)
    loss = _loss_tc(mind2.reshape(16, 128))
    return bmu2.reshape(B, 1, 2), loss[0, 0]

# --- scband reference (transcript-rebuilt; emitter-appended) ---
"""Pipeline reference for scband-som-4922032521526 (READ-ONLY COPY).

The authoritative reference and input builder live on the scoring server;
editing this copy changes nothing except your own understanding.
"""

import jax, jax.numpy as jnp
import numpy as np

OUT_W, OUT_H = 32, 32
INPUT_SIZE = 64
BATCH = 2048


def setup_inputs(seed: int = 0) -> dict:
    key = jax.random.key(seed)
    k1, k2 = jax.random.split(key)
    x = jax.random.normal(k1, (BATCH, INPUT_SIZE), dtype=jnp.float32)
    # nn.Parameter(torch.randn(input_size, out_w*out_h))
    weight = jax.random.normal(k2, (INPUT_SIZE, OUT_W * OUT_H), dtype=jnp.float32)
    # locations: enumerate (x, y) grid coords, x outer loop (row-major)
    xs, ys = jnp.meshgrid(jnp.arange(OUT_W), jnp.arange(OUT_H), indexing='ij')
    locations = jnp.stack([xs.ravel(), ys.ravel()], axis=1).astype(jnp.float32)
    return {"input": x, "weight": weight, "locations": locations}


def reference(input, weight, locations):
    # SOM.forward
    batch_size = input.shape[0]
    x = input.reshape(batch_size, -1, 1)            # [B, D, 1]
    # batch_weight = weight.expand(B, -1, -1)       # [B, D, K]
    # nn.PairwiseDistance(p=2): ||x1 - x2 + eps||_2 reduced along the last dim
    diff = x - weight[None, :, :] + 1e-6            # [B, D, K]
    dists = jnp.sqrt(jnp.sum(diff * diff, axis=-1)) # [B, D]
    losses = jnp.min(dists, axis=1, keepdims=True)  # [B, 1]
    bmu_indexes = jnp.argmin(dists, axis=1)         # [B]
    # self.locations[bmu_indexes] with bmu_indexes of shape [B, 1] -> [B, 1, 2]
    bmu_locations = jnp.take(locations, bmu_indexes[:, None], axis=0)
    loss = jnp.sum(losses) / batch_size             # scalar (torch returns .item())
    return bmu_locations, loss

if __name__ == "__main__":
    import jax
    _d = setup_inputs()
    print(jax.jit(kernel)(*tuple(_d.values())))

</pallas_src>

<mosaic_0001>
#map = affine_map<(d0, d1) -> (0, 0)>
#map1 = affine_map<(d0, d1) -> (0)>
module attributes {stable_mosaic.version = 14 : i64} {
  func.func @_som_sc_body(%arg0: i32, %arg1: i32, %arg2: memref<2048x64xf32, #tpu.memory_space<hbm>>, %arg3: memref<64x1024xf32, #tpu.memory_space<hbm>>, %arg4: memref<1024x2xf32, #tpu.memory_space<hbm>>, %arg5: memref<2048x2xf32, #tpu.memory_space<hbm>>, %arg6: memref<2048xf32, #tpu.memory_space<hbm>>, %arg7: memref<16x16xf32, #tpu.memory_space<hbm>>, %arg8: memref<64x64xf32, #tpu.memory_space<vmem>>, %arg9: memref<4x1024xf32, #tpu.memory_space<vmem>>, %arg10: memref<64x2xf32, #tpu.memory_space<vmem>>, %arg11: memref<16xf32, #tpu.memory_space<vmem>>, %arg12: memref<16x16xf32, #tpu.memory_space<vmem>>, %arg13: memref<64xf32, #tpu.memory_space<vmem>>, %arg14: memref<64xf32, #tpu.memory_space<vmem>>, %arg15: memref<4096xf32, #tpu.memory_space<vmem>>, %arg16: memref<64x2xf32, #tpu.memory_space<vmem>>, %arg17: memref<64xf32, #tpu.memory_space<vmem>>, %arg18: memref<!tpu.dma_semaphore, #tpu.memory_space<semaphore_mem>>, %arg19: memref<!tpu.dma_semaphore, #tpu.memory_space<semaphore_mem>>, %arg20: memref<!tpu.dma_semaphore, #tpu.memory_space<semaphore_mem>>) attributes {dimension_semantics = [#tpu.dimension_semantics<core_parallel>, #tpu.dimension_semantics<subcore_parallel>], iteration_bounds = array<i64: 2, 16>, scalar_prefetch = 0 : i64, scratch_operands = 13 : i64, tpu.core_type = #tpu.core_type<sc_vector_subcore>, window_params = [{transform_indices = #map}, {transform_indices = #map}, {transform_indices = #map}, {transform_indices = #map}, {transform_indices = #map1}, {transform_indices = #map}]} {
    %mul3A = arith.constant 16 : i32
    %mul3A_0 = arith.muli %arg0, %mul3A : i32
    %add3A = arith.addi %mul3A_0, %arg1 : i32
    %mul3A_1 = arith.constant 64 : i32
    %mul3A_2 = arith.muli %add3A, %mul3A_1 : i32
    %iota3A = tpu.iota {dimensions = array<i32: 0>} : vector<16xi32>
    %broadcast_in_dim3A = arith.constant 0 : i32
    %broadcast_in_dim3A_3 = vector.broadcast %broadcast_in_dim3A : i32 to vector<16xi32>
    %dma_start3A = arith.constant 0 : i32
    %dma_start3A_4 = tpu.memref_slice %arg2[%mul3A_2, %dma_start3A] : memref<2048x64xf32, #tpu.memory_space<hbm>> -> memref<64x64xf32, #tpu.memory_space<hbm>>
    %dma_start3A_5 = arith.constant 0 : i32
    %dma_start3A_6 = tpu.memref_slice %arg2[%mul3A_2, %dma_start3A_5] : memref<2048x64xf32, #tpu.memory_space<hbm>> -> memref<64x64xf32, #tpu.memory_space<hbm>>
    tpu.enqueue_dma source(%dma_start3A_6 : memref<64x64xf32, #tpu.memory_space<hbm>>) target(%arg8 : memref<64x64xf32, #tpu.memory_space<vmem>>) target_semaphore(%arg18 : memref<!tpu.dma_semaphore, #tpu.memory_space<semaphore_mem>>)
    %dma_start3A_7 = arith.constant 0 : i32
    %dma_start3A_8 = arith.constant 0 : i32
    %dma_start3A_9 = tpu.memref_slice %arg4[%dma_start3A_7, %dma_start3A_8] : memref<1024x2xf32, #tpu.memory_space<hbm>> -> memref<64x2xf32, #tpu.memory_space<hbm>>
    %dma_start3A_10 = arith.constant 0 : i32
    %dma_start3A_11 = arith.constant 0 : i32
    %dma_start3A_12 = tpu.memref_slice %arg4[%dma_start3A_10, %dma_start3A_11] : memref<1024x2xf32, #tpu.memory_space<hbm>> -> memref<64x2xf32, #tpu.memory_space<hbm>>
    tpu.enqueue_dma source(%dma_start3A_12 : memref<64x2xf32, #tpu.memory_space<hbm>>) target(%arg10 : memref<64x2xf32, #tpu.memory_space<vmem>>) target_semaphore(%arg19 : memref<!tpu.dma_semaphore, #tpu.memory_space<semaphore_mem>>)
    %mul3A_13 = arith.constant 4 : i32
    %mul3A_14 = arith.muli %arg1, %mul3A_13 : i32
    "tpu.region"() ({
      %run_scoped3A = tpu.sem_alloc : memref<!tpu.dma_semaphore, #tpu.memory_space<semaphore_mem>>
      %dma_start3A_270 = arith.constant 0 : i32
      %dma_start3A_271 = tpu.memref_slice %arg3[%mul3A_14, %dma_start3A_270] : memref<64x1024xf32, #tpu.memory_space<hbm>> -> memref<4x1024xf32, #tpu.memory_space<hbm>>
      %dma_start3A_272 = arith.constant 0 : i32
      %dma_start3A_273 = tpu.memref_slice %arg3[%mul3A_14, %dma_start3A_272] : memref<64x1024xf32, #tpu.memory_space<hbm>> -> memref<4x1024xf32, #tpu.memory_space<hbm>>
      tpu.enqueue_dma source(%dma_start3A_273 : memref<4x1024xf32, #tpu.memory_space<hbm>>) target(%arg9 : memref<4x1024xf32, #tpu.memory_space<vmem>>) target_semaphore(%run_scoped3A : memref<!tpu.dma_semaphore, #tpu.memory_space<semaphore_mem>>)
      %dma_wait3A_274 = arith.constant 0 : i32
      %dma_wait3A_275 = tpu.memref_slice %arg3[%mul3A_14, %dma_wait3A_274] : memref<64x1024xf32, #tpu.memory_space<hbm>> -> memref<4x1024xf32, #tpu.memory_space<hbm>>
      %dma_wait3A_276 = arith.constant 0 : i32
      %dma_wait3A_277 = tpu.memref_slice %arg3[%mul3A_14, %dma_wait3A_276] : memref<64x1024xf32, #tpu.memory_space<hbm>> -> memref<4x1024xf32, #tpu.memory_space<hbm>>
      tpu.wait_dma2 semaphore(%run_scoped3A : memref<!tpu.dma_semaphore, #tpu.memory_space<semaphore_mem>>) src(%dma_wait3A_277 : memref<4x1024xf32, #tpu.memory_space<hbm>>) dst(%arg9 : memref<4x1024xf32, #tpu.memory_space<vmem>>)
      tpu.yield
    }) : () -> ()
    %broadcast_in_dim3A_15 = arith.constant 0.000000e+00 : f32
    %broadcast_in_dim3A_16 = vector.broadcast %broadcast_in_dim3A_15 : f32 to vector<16xf32>
    %parallel_loop3A = arith.constant 0 : i32
    %parallel_loop3A_17 = arith.constant 64 : i32
    %parallel_loop3A_18 = arith.constant 1 : i32
    %parallel_loop3A_19:16 = scf.for %parallel_loop3A_270 = %parallel_loop3A to %parallel_loop3A_17 step %parallel_loop3A_18 iter_args(%parallel_loop3A_271 = %broadcast_in_dim3A_16, %parallel_loop3A_272 = %broadcast_in_dim3A_16, %parallel_loop3A_273 = %broadcast_in_dim3A_16, %parallel_loop3A_274 = %broadcast_in_dim3A_16, %parallel_loop3A_275 = %broadcast_in_dim3A_16, %parallel_loop3A_276 = %broadcast_in_dim3A_16, %parallel_loop3A_277 = %broadcast_in_dim3A_16, %parallel_loop3A_278 = %broadcast_in_dim3A_16, %parallel_loop3A_279 = %broadcast_in_dim3A_16, %parallel_loop3A_280 = %broadcast_in_dim3A_16, %parallel_loop3A_281 = %broadcast_in_dim3A_16, %parallel_loop3A_282 = %broadcast_in_dim3A_16, %parallel_loop3A_283 = %broadcast_in_dim3A_16, %parallel_loop3A_284 = %broadcast_in_dim3A_16, %parallel_loop3A_285 = %broadcast_in_dim3A_16, %parallel_loop3A_286 = %broadcast_in_dim3A_16) -> (vector<16xf32>, vector<16xf32>, vector<16xf32>, vector<16xf32>, vector<16xf32>, vector<16xf32>, vector<16xf32>, vector<16xf32>, vector<16xf32>, vector<16xf32>, vector<16xf32>, vector<16xf32>, vector<16xf32>, vector<16xf32>, vector<16xf32>, vector<16xf32>)  : i32 {
      %parallel_loop3A_287 = arith.constant 16 : i32
      %parallel_loop3A_288 = arith.muli %parallel_loop3A_270, %parallel_loop3A_287 : i32
      %parallel_loop3A_289 = arith.constant 0 : i32
      %parallel_loop3A_290 = arith.index_cast %parallel_loop3A_289 : i32 to index
      %parallel_loop3A_291 = arith.index_cast %parallel_loop3A_288 : i32 to index
      %parallel_loop3A_292 = tpu.vector_load %arg9[%parallel_loop3A_290, %parallel_loop3A_291] {strides = array<i32>} : memref<4x1024xf32, #tpu.memory_space<vmem>>, vector<16xf32>,
      %parallel_loop3A_293 = arith.mulf %parallel_loop3A_292, %parallel_loop3A_292 : vector<16xf32>
      %parallel_loop3A_294 = arith.subf %parallel_loop3A_292, %parallel_loop3A_279 : vector<16xf32>
      %parallel_loop3A_295 = arith.addf %parallel_loop3A_271, %parallel_loop3A_294 : vector<16xf32>
      %parallel_loop3A_296 = arith.subf %parallel_loop3A_295, %parallel_loop3A_271 : vector<16xf32>
      %parallel_loop3A_297 = arith.subf %parallel_loop3A_296, %parallel_loop3A_294 : vector<16xf32>
      %parallel_loop3A_298 = arith.subf %parallel_loop3A_293, %parallel_loop3A_280 : vector<16xf32>
      %parallel_loop3A_299 = arith.addf %parallel_loop3A_272, %parallel_loop3A_298 : vector<16xf32>
      %parallel_loop3A_300 = arith.subf %parallel_loop3A_299, %parallel_loop3A_272 : vector<16xf32>
      %parallel_loop3A_301 = arith.subf %parallel_loop3A_300, %parallel_loop3A_298 : vector<16xf32>
      %parallel_loop3A_302 = arith.constant 1 : i32
      %parallel_loop3A_303 = arith.index_cast %parallel_loop3A_302 : i32 to index
      %parallel_loop3A_304 = arith.index_cast %parallel_loop3A_288 : i32 to index
      %parallel_loop3A_305 = tpu.vector_load %arg9[%parallel_loop3A_303, %parallel_loop3A_304] {strides = array<i32>} : memref<4x1024xf32, #tpu.memory_space<vmem>>, vector<16xf32>,
      %parallel_loop3A_306 = arith.mulf %parallel_loop3A_305, %parallel_loop3A_305 : vector<16xf32>
      %parallel_loop3A_307 = arith.subf %parallel_loop3A_305, %parallel_loop3A_281 : vector<16xf32>
      %parallel_loop3A_308 = arith.addf %parallel_loop3A_273, %parallel_loop3A_307 : vector<16xf32>
      %parallel_loop3A_309 = arith.subf %parallel_loop3A_308, %parallel_loop3A_273 : vector<16xf32>
      %parallel_loop3A_310 = arith.subf %parallel_loop3A_309, %parallel_loop3A_307 : vector<16xf32>
      %parallel_loop3A_311 = arith.subf %parallel_loop3A_306, %parallel_loop3A_282 : vector<16xf32>
      %parallel_loop3A_312 = arith.addf %parallel_loop3A_274, %parallel_loop3A_311 : vector<16xf32>
      %parallel_loop3A_313 = arith.subf %parallel_loop3A_312, %parallel_loop3A_274 : vector<16xf32>
      %parallel_loop3A_314 = arith.subf %parallel_loop3A_313, %parallel_loop3A_311 : vector<16xf32>
      %parallel_loop3A_315 = arith.constant 2 : i32
      %parallel_loop3A_316 = arith.index_cast %parallel_loop3A_315 : i32 to index
      %parallel_loop3A_317 = arith.index_cast %parallel_loop3A_288 : i32 to index
      %parallel_loop3A_318 = tpu.vector_load %arg9[%parallel_loop3A_316, %parallel_loop3A_317] {strides = array<i32>} : memref<4x1024xf32, #tpu.memory_space<vmem>>, vector<16xf32>,
      %parallel_loop3A_319 = arith.mulf %parallel_loop3A_318, %parallel_loop3A_318 : vector<16xf32>
      %parallel_loop3A_320 = arith.subf %parallel_loop3A_318, %parallel_loop3A_283 : vector<16xf32>
      %parallel_loop3A_321 = arith.addf %parallel_loop3A_275, %parallel_loop3A_320 : vector<16xf32>
      %parallel_loop3A_322 = arith.subf %parallel_loop3A_321, %parallel_loop3A_275 : vector<16xf32>
      %parallel_loop3A_323 = arith.subf %parallel_loop3A_322, %parallel_loop3A_320 : vector<16xf32>
      %parallel_loop3A_324 = arith.subf %parallel_loop3A_319, %parallel_loop3A_284 : vector<16xf32>
      %parallel_loop3A_325 = arith.addf %parallel_loop3A_276, %parallel_loop3A_324 : vector<16xf32>
      %parallel_loop3A_326 = arith.subf %parallel_loop3A_325, %parallel_loop3A_276 : vector<16xf32>
      %parallel_loop3A_327 = arith.subf %parallel_loop3A_326, %parallel_loop3A_324 : vector<16xf32>
      %parallel_loop3A_328 = arith.constant 3 : i32
      %parallel_loop3A_329 = arith.index_cast %parallel_loop3A_328 : i32 to index
      %parallel_loop3A_330 = arith.index_cast %parallel_loop3A_288 : i32 to index
      %parallel_loop3A_331 = tpu.vector_load %arg9[%parallel_loop3A_329, %parallel_loop3A_330] {strides = array<i32>} : memref<4x1024xf32, #tpu.memory_space<vmem>>, vector<16xf32>,
      %parallel_loop3A_332 = arith.mulf %parallel_loop3A_331, %parallel_loop3A_331 : vector<16xf32>
      %parallel_loop3A_333 = arith.subf %parallel_loop3A_331, %parallel_loop3A_285 : vector<16xf32>
      %parallel_loop3A_334 = arith.addf %parallel_loop3A_277, %parallel_loop3A_333 : vector<16xf32>
      %parallel_loop3A_335 = arith.subf %parallel_loop3A_334, %parallel_loop3A_277 : vector<16xf32>
      %parallel_loop3A_336 = arith.subf %parallel_loop3A_335, %parallel_loop3A_333 : vector<16xf32>
      %parallel_loop3A_337 = arith.subf %parallel_loop3A_332, %parallel_loop3A_286 : vector<16xf32>
      %parallel_loop3A_338 = arith.addf %parallel_loop3A_278, %parallel_loop3A_337 : vector<16xf32>
      %parallel_loop3A_339 = arith.subf %parallel_loop3A_338, %parallel_loop3A_278 : vector<16xf32>
      %parallel_loop3A_340 = arith.subf %parallel_loop3A_339, %parallel_loop3A_337 : vector<16xf32>
      scf.yield %parallel_loop3A_295, %parallel_loop3A_299, %parallel_loop3A_308, %parallel_loop3A_312, %parallel_loop3A_321, %parallel_loop3A_325, %parallel_loop3A_334, %parallel_loop3A_338, %parallel_loop3A_297, %parallel_loop3A_301, %parallel_loop3A_310, %parallel_loop3A_314, %parallel_loop3A_323, %parallel_loop3A_327, %parallel_loop3A_336, %parallel_loop3A_340 : vector<16xf32>, vector<16xf32>, vector<16xf32>, vector<16xf32>, vector<16xf32>, vector<16xf32>, vector<16xf32>, vector<16xf32>, vector<16xf32>, vector<16xf32>, vector<16xf32>, vector<16xf32>, vector<16xf32>, vector<16xf32>, vector<16xf32>, vector<16xf32>
    } {sc.loop_unroll_factor = 4 : i64, sc.parallel_access}
    %reduce_sum3A = arith.constant true
    %reduce_sum3A_20 = vector.broadcast %reduce_sum3A : i1 to vector<16xi1>
    %reduce_sum3A_21 = tpu.scan <sum>, %parallel_loop3A_19#0 masked %reduce_sum3A_20 : vector<16xf32>, vector<16xi1> -> vector<16xf32>
    %reduce_sum3A_22 = vector.extract %reduce_sum3A_21[15] : f32 from vector<16xf32>
    %reduce_sum3A_23 = arith.constant true
    %reduce_sum3A_24 = vector.broadcast %reduce_sum3A_23 : i1 to vector<16xi1>
    %reduce_sum3A_25 = tpu.scan <sum>, %parallel_loop3A_19#1 masked %reduce_sum3A_24 : vector<16xf32>, vector<16xi1> -> vector<16xf32>
    %reduce_sum3A_26 = vector.extract %reduce_sum3A_25[15] : f32 from vector<16xf32>
    %mul3A_27 = arith.constant 9.765625E-4 : f32
    %mul3A_28 = arith.mulf %reduce_sum3A_22, %mul3A_27 : f32
    %mul3A_29 = arith.mulf %reduce_sum3A_22, %mul3A_28 : f32
    %sub3A = arith.subf %reduce_sum3A_26, %mul3A_29 : f32
    %eq3A = arith.constant 0 : i32
    %eq3A_30 = vector.broadcast %eq3A : i32 to vector<16xi32>
    %eq3A_31 = arith.cmpi eq, %iota3A, %eq3A_30 : vector<16xi32>
    %broadcast_in_dim3A_32 = vector.broadcast %mul3A_28 : f32 to vector<16xf32>
    %select_n3A = arith.select %eq3A_31, %broadcast_in_dim3A_32, %broadcast_in_dim3A_16 : vector<16xi1>, vector<16xf32>
    %eq3A_33 = arith.constant 1 : i32
    %eq3A_34 = vector.broadcast %eq3A_33 : i32 to vector<16xi32>
    %eq3A_35 = arith.cmpi eq, %iota3A, %eq3A_34 : vector<16xi32>
    %broadcast_in_dim3A_36 = vector.broadcast %sub3A : f32 to vector<16xf32>
    %select_n3A_37 = arith.select %eq3A_35, %broadcast_in_dim3A_36, %select_n3A : vector<16xi1>, vector<16xf32>
    %reduce_sum3A_38 = arith.constant true
    %reduce_sum3A_39 = vector.broadcast %reduce_sum3A_38 : i1 to vector<16xi1>
    %reduce_sum3A_40 = tpu.scan <sum>, %parallel_loop3A_19#2 masked %reduce_sum3A_39 : vector<16xf32>, vector<16xi1> -> vector<16xf32>
    %reduce_sum3A_41 = vector.extract %reduce_sum3A_40[15] : f32 from vector<16xf32>
    %reduce_sum3A_42 = arith.constant true
    %reduce_sum3A_43 = vector.broadcast %reduce_sum3A_42 : i1 to vector<16xi1>
    %reduce_sum3A_44 = tpu.scan <sum>, %parallel_loop3A_19#3 masked %reduce_sum3A_43 : vector<16xf32>, vector<16xi1> -> vector<16xf32>
    %reduce_sum3A_45 = vector.extract %reduce_sum3A_44[15] : f32 from vector<16xf32>
    %mul3A_46 = arith.constant 9.765625E-4 : f32
    %mul3A_47 = arith.mulf %reduce_sum3A_41, %mul3A_46 : f32
    %mul3A_48 = arith.mulf %reduce_sum3A_41, %mul3A_47 : f32
    %sub3A_49 = arith.subf %reduce_sum3A_45, %mul3A_48 : f32
    %eq3A_50 = arith.constant 2 : i32
    %eq3A_51 = vector.broadcast %eq3A_50 : i32 to vector<16xi32>
    %eq3A_52 = arith.cmpi eq, %iota3A, %eq3A_51 : vector<16xi32>
    %broadcast_in_dim3A_53 = vector.broadcast %mul3A_47 : f32 to vector<16xf32>
    %select_n3A_54 = arith.select %eq3A_52, %broadcast_in_dim3A_53, %select_n3A_37 : vector<16xi1>, vector<16xf32>
    %eq3A_55 = arith.constant 3 : i32
    %eq3A_56 = vector.broadcast %eq3A_55 : i32 to vector<16xi32>
    %eq3A_57 = arith.cmpi eq, %iota3A, %eq3A_56 : vector<16xi32>
    %broadcast_in_dim3A_58 = vector.broadcast %sub3A_49 : f32 to vector<16xf32>
    %select_n3A_59 = arith.select %eq3A_57, %broadcast_in_dim3A_58, %select_n3A_54 : vector<16xi1>, vector<16xf32>
    %reduce_sum3A_60 = arith.constant true
    %reduce_sum3A_61 = vector.broadcast %reduce_sum3A_60 : i1 to vector<16xi1>
    %reduce_sum3A_62 = tpu.scan <sum>, %parallel_loop3A_19#4 masked %reduce_sum3A_61 : vector<16xf32>, vector<16xi1> -> vector<16xf32>
    %reduce_sum3A_63 = vector.extract %reduce_sum3A_62[15] : f32 from vector<16xf32>
    %reduce_sum3A_64 = arith.constant true
    %reduce_sum3A_65 = vector.broadcast %reduce_sum3A_64 : i1 to vector<16xi1>
    %reduce_sum3A_66 = tpu.scan <sum>, %parallel_loop3A_19#5 masked %reduce_sum3A_65 : vector<16xf32>, vector<16xi1> -> vector<16xf32>
    %reduce_sum3A_67 = vector.extract %reduce_sum3A_66[15] : f32 from vector<16xf32>
    %mul3A_68 = arith.constant 9.765625E-4 : f32
    %mul3A_69 = arith.mulf %reduce_sum3A_63, %mul3A_68 : f32
    %mul3A_70 = arith.mulf %reduce_sum3A_63, %mul3A_69 : f32
    %sub3A_71 = arith.subf %reduce_sum3A_67, %mul3A_70 : f32
    %eq3A_72 = arith.constant 4 : i32
    %eq3A_73 = vector.broadcast %eq3A_72 : i32 to vector<16xi32>
    %eq3A_74 = arith.cmpi eq, %iota3A, %eq3A_73 : vector<16xi32>
    %broadcast_in_dim3A_75 = vector.broadcast %mul3A_69 : f32 to vector<16xf32>
    %select_n3A_76 = arith.select %eq3A_74, %broadcast_in_dim3A_75, %select_n3A_59 : vector<16xi1>, vector<16xf32>
    %eq3A_77 = arith.constant 5 : i32
    %eq3A_78 = vector.broadcast %eq3A_77 : i32 to vector<16xi32>
    %eq3A_79 = arith.cmpi eq, %iota3A, %eq3A_78 : vector<16xi32>
    %broadcast_in_dim3A_80 = vector.broadcast %sub3A_71 : f32 to vector<16xf32>
    %select_n3A_81 = arith.select %eq3A_79, %broadcast_in_dim3A_80, %select_n3A_76 : vector<16xi1>, vector<16xf32>
    %reduce_sum3A_82 = arith.constant true
    %reduce_sum3A_83 = vector.broadcast %reduce_sum3A_82 : i1 to vector<16xi1>
    %reduce_sum3A_84 = tpu.scan <sum>, %parallel_loop3A_19#6 masked %reduce_sum3A_83 : vector<16xf32>, vector<16xi1> -> vector<16xf32>
    %reduce_sum3A_85 = vector.extract %reduce_sum3A_84[15] : f32 from vector<16xf32>
    %reduce_sum3A_86 = arith.constant true
    %reduce_sum3A_87 = vector.broadcast %reduce_sum3A_86 : i1 to vector<16xi1>
    %reduce_sum3A_88 = tpu.scan <sum>, %parallel_loop3A_19#7 masked %reduce_sum3A_87 : vector<16xf32>, vector<16xi1> -> vector<16xf32>
    %reduce_sum3A_89 = vector.extract %reduce_sum3A_88[15] : f32 from vector<16xf32>
    %mul3A_90 = arith.constant 9.765625E-4 : f32
    %mul3A_91 = arith.mulf %reduce_sum3A_85, %mul3A_90 : f32
    %mul3A_92 = arith.mulf %reduce_sum3A_85, %mul3A_91 : f32
    %sub3A_93 = arith.subf %reduce_sum3A_89, %mul3A_92 : f32
    %eq3A_94 = arith.constant 6 : i32
    %eq3A_95 = vector.broadcast %eq3A_94 : i32 to vector<16xi32>
    %eq3A_96 = arith.cmpi eq, %iota3A, %eq3A_95 : vector<16xi32>
    %broadcast_in_dim3A_97 = vector.broadcast %mul3A_91 : f32 to vector<16xf32>
    %select_n3A_98 = arith.select %eq3A_96, %broadcast_in_dim3A_97, %select_n3A_81 : vector<16xi1>, vector<16xf32>
    %eq3A_99 = arith.constant 7 : i32
    %eq3A_100 = vector.broadcast %eq3A_99 : i32 to vector<16xi32>
    %eq3A_101 = arith.cmpi eq, %iota3A, %eq3A_100 : vector<16xi32>
    %broadcast_in_dim3A_102 = vector.broadcast %sub3A_93 : f32 to vector<16xf32>
    %select_n3A_103 = arith.select %eq3A_101, %broadcast_in_dim3A_102, %select_n3A_98 : vector<16xi1>, vector<16xf32>
    %swap3A = arith.constant 0 : index
    %swap3A_104 = tpu.vector_load %arg11[%swap3A] {strides = array<i32>} : memref<16xf32, #tpu.memory_space<vmem>>, vector<16xf32>,
    tpu.vector_store %arg11[%swap3A], %select_n3A_103 {strides = array<i32>} : memref<16xf32, #tpu.memory_space<vmem>>, vector<16xf32>,
    %dma_start3A_105 = arith.constant 0 : i32
    %dma_start3A_106 = tpu.memref_slice %arg7[%arg1, %dma_start3A_105] : memref<16x16xf32, #tpu.memory_space<hbm>> -> memref<1x16xf32, #tpu.memory_space<hbm>>
    %dma_start3A_107 = tpu.memref_squeeze %dma_start3A_106 : memref<1x16xf32, #tpu.memory_space<hbm>> -> memref<16xf32, #tpu.memory_space<hbm>>
    %dma_start3A_108 = arith.constant 0 : i32
    %dma_start3A_109 = tpu.memref_slice %arg7[%arg1, %dma_start3A_108] : memref<16x16xf32, #tpu.memory_space<hbm>> -> memref<1x16xf32, #tpu.memory_space<hbm>>
    %dma_start3A_110 = tpu.memref_squeeze %dma_start3A_109 : memref<1x16xf32, #tpu.memory_space<hbm>> -> memref<16xf32, #tpu.memory_space<hbm>>
    tpu.enqueue_dma source(%arg11 : memref<16xf32, #tpu.memory_space<vmem>>) target(%dma_start3A_110 : memref<16xf32, #tpu.memory_space<hbm>>) target_semaphore(%arg20 : memref<!tpu.dma_semaphore, #tpu.memory_space<semaphore_mem>>)
    %dma_wait3A = arith.constant 0 : i32
    %dma_wait3A_111 = tpu.memref_slice %arg2[%mul3A_2, %dma_wait3A] : memref<2048x64xf32, #tpu.memory_space<hbm>> -> memref<64x64xf32, #tpu.memory_space<hbm>>
    %dma_wait3A_112 = arith.constant 0 : i32
    %dma_wait3A_113 = tpu.memref_slice %arg2[%mul3A_2, %dma_wait3A_112] : memref<2048x64xf32, #tpu.memory_space<hbm>> -> memref<64x64xf32, #tpu.memory_space<hbm>>
    tpu.wait_dma2 semaphore(%arg18 : memref<!tpu.dma_semaphore, #tpu.memory_space<semaphore_mem>>) src(%dma_wait3A_113 : memref<64x64xf32, #tpu.memory_space<hbm>>) dst(%arg8 : memref<64x64xf32, #tpu.memory_space<vmem>>)
    %parallel_loop3A_114 = arith.constant 0 : i32
    %parallel_loop3A_115 = arith.constant 64 : i32
    %parallel_loop3A_116 = arith.constant 1 : i32
    scf.for %parallel_loop3A_270 = %parallel_loop3A_114 to %parallel_loop3A_115 step %parallel_loop3A_116  : i32 {
      %parallel_loop3A_271 = vector.broadcast %parallel_loop3A_270 : i32 to vector<16xi32>
      %parallel_loop3A_272 = arith.addi %broadcast_in_dim3A_3, %parallel_loop3A_271 : vector<16xi32>
      %parallel_loop3A_273 = arith.constant 0 : i32
      %parallel_loop3A_274 = arith.subi %parallel_loop3A_273, %parallel_loop3A_270 : i32
      %parallel_loop3A_275 = vector.broadcast %parallel_loop3A_274 : i32 to vector<16xi32>
      %parallel_loop3A_276 = arith.addi %iota3A, %parallel_loop3A_275 : vector<16xi32>
      %parallel_loop3A_277 = arith.constant 63 : i32
      %parallel_loop3A_278 = vector.broadcast %parallel_loop3A_277 : i32 to vector<16xi32>
      %parallel_loop3A_279 = arith.andi %parallel_loop3A_276, %parallel_loop3A_278 : vector<16xi32>
      %parallel_loop3A_280 = tpu.vector_load_idx %arg8[%parallel_loop3A_272, %parallel_loop3A_279] : memref<64x64xf32, #tpu.memory_space<vmem>>[vector<16xi32>, vector<16xi32>], vector<16xf32>,
      %parallel_loop3A_281 = arith.constant 64 : i32
      %parallel_loop3A_282 = arith.muli %parallel_loop3A_270, %parallel_loop3A_281 : i32
      %parallel_loop3A_283 = arith.constant 0 : i32
      %parallel_loop3A_284 = arith.addi %parallel_loop3A_282, %parallel_loop3A_283 : i32
      %parallel_loop3A_285 = arith.index_cast %parallel_loop3A_284 : i32 to index
      %parallel_loop3A_286 = tpu.vector_load %arg15[%parallel_loop3A_285] {strides = array<i32>} : memref<4096xf32, #tpu.memory_space<vmem>>, vector<16xf32>,
      tpu.vector_store %arg15[%parallel_loop3A_285], %parallel_loop3A_280 {strides = array<i32>} : memref<4096xf32, #tpu.memory_space<vmem>>, vector<16xf32>,
      %parallel_loop3A_287 = arith.constant 16 : i32
      %parallel_loop3A_288 = arith.subi %parallel_loop3A_287, %parallel_loop3A_270 : i32
      %parallel_loop3A_289 = vector.broadcast %parallel_loop3A_288 : i32 to vector<16xi32>
      %parallel_loop3A_290 = arith.addi %iota3A, %parallel_loop3A_289 : vector<16xi32>
      %parallel_loop3A_291 = arith.constant 63 : i32
      %parallel_loop3A_292 = vector.broadcast %parallel_loop3A_291 : i32 to vector<16xi32>
      %parallel_loop3A_293 = arith.andi %parallel_loop3A_290, %parallel_loop3A_292 : vector<16xi32>
      %parallel_loop3A_294 = tpu.vector_load_idx %arg8[%parallel_loop3A_272, %parallel_loop3A_293] : memref<64x64xf32, #tpu.memory_space<vmem>>[vector<16xi32>, vector<16xi32>], vector<16xf32>,
      %parallel_loop3A_295 = arith.constant 64 : i32
      %parallel_loop3A_296 = arith.muli %parallel_loop3A_270, %parallel_loop3A_295 : i32
      %parallel_loop3A_297 = arith.constant 16 : i32
      %parallel_loop3A_298 = arith.addi %parallel_loop3A_296, %parallel_loop3A_297 : i32
      %parallel_loop3A_299 = arith.index_cast %parallel_loop3A_298 : i32 to index
      %parallel_loop3A_300 = tpu.vector_load %arg15[%parallel_loop3A_299] {strides = array<i32>} : memref<4096xf32, #tpu.memory_space<vmem>>, vector<16xf32>,
      tpu.vector_store %arg15[%parallel_loop3A_299], %parallel_loop3A_294 {strides = array<i32>} : memref<4096xf32, #tpu.memory_space<vmem>>, vector<16xf32>,
      %parallel_loop3A_301 = arith.constant 32 : i32
      %parallel_loop3A_302 = arith.subi %parallel_loop3A_301, %parallel_loop3A_270 : i32
      %parallel_loop3A_303 = vector.broadcast %parallel_loop3A_302 : i32 to vector<16xi32>
      %parallel_loop3A_304 = arith.addi %iota3A, %parallel_loop3A_303 : vector<16xi32>
      %parallel_loop3A_305 = arith.constant 63 : i32
      %parallel_loop3A_306 = vector.broadcast %parallel_loop3A_305 : i32 to vector<16xi32>
      %parallel_loop3A_307 = arith.andi %parallel_loop3A_304, %parallel_loop3A_306 : vector<16xi32>
      %parallel_loop3A_308 = tpu.vector_load_idx %arg8[%parallel_loop3A_272, %parallel_loop3A_307] : memref<64x64xf32, #tpu.memory_space<vmem>>[vector<16xi32>, vector<16xi32>], vector<16xf32>,
      %parallel_loop3A_309 = arith.constant 64 : i32
      %parallel_loop3A_310 = arith.muli %parallel_loop3A_270, %parallel_loop3A_309 : i32
      %parallel_loop3A_311 = arith.constant 32 : i32
      %parallel_loop3A_312 = arith.addi %parallel_loop3A_310, %parallel_loop3A_311 : i32
      %parallel_loop3A_313 = arith.index_cast %parallel_loop3A_312 : i32 to index
      %parallel_loop3A_314 = tpu.vector_load %arg15[%parallel_loop3A_313] {strides = array<i32>} : memref<4096xf32, #tpu.memory_space<vmem>>, vector<16xf32>,
      tpu.vector_store %arg15[%parallel_loop3A_313], %parallel_loop3A_308 {strides = array<i32>} : memref<4096xf32, #tpu.memory_space<vmem>>, vector<16xf32>,
      %parallel_loop3A_315 = arith.constant 48 : i32
      %parallel_loop3A_316 = arith.subi %parallel_loop3A_315, %parallel_loop3A_270 : i32
      %parallel_loop3A_317 = vector.broadcast %parallel_loop3A_316 : i32 to vector<16xi32>
      %parallel_loop3A_318 = arith.addi %iota3A, %parallel_loop3A_317 : vector<16xi32>
      %parallel_loop3A_319 = arith.constant 63 : i32
      %parallel_loop3A_320 = vector.broadcast %parallel_loop3A_319 : i32 to vector<16xi32>
      %parallel_loop3A_321 = arith.andi %parallel_loop3A_318, %parallel_loop3A_320 : vector<16xi32>
      %parallel_loop3A_322 = tpu.vector_load_idx %arg8[%parallel_loop3A_272, %parallel_loop3A_321] : memref<64x64xf32, #tpu.memory_space<vmem>>[vector<16xi32>, vector<16xi32>], vector<16xf32>,
      %parallel_loop3A_323 = arith.constant 64 : i32
      %parallel_loop3A_324 = arith.muli %parallel_loop3A_270, %parallel_loop3A_323 : i32
      %parallel_loop3A_325 = arith.constant 48 : i32
      %parallel_loop3A_326 = arith.addi %parallel_loop3A_324, %parallel_loop3A_325 : i32
      %parallel_loop3A_327 = arith.index_cast %parallel_loop3A_326 : i32 to index
      %parallel_loop3A_328 = tpu.vector_load %arg15[%parallel_loop3A_327] {strides = array<i32>} : memref<4096xf32, #tpu.memory_space<vmem>>, vector<16xf32>,
      tpu.vector_store %arg15[%parallel_loop3A_327], %parallel_loop3A_322 {strides = array<i32>} : memref<4096xf32, #tpu.memory_space<vmem>>, vector<16xf32>,
    } {sc.loop_unroll_factor = 2 : i64, sc.parallel_access}
    %dma_wait3A_117 = arith.constant 0 : i32
    %dma_wait3A_118 = tpu.memref_slice %arg7[%arg1, %dma_wait3A_117] : memref<16x16xf32, #tpu.memory_space<hbm>> -> memref<1x16xf32, #tpu.memory_space<hbm>>
    %dma_wait3A_119 = tpu.memref_squeeze %dma_wait3A_118 : memref<1x16xf32, #tpu.memory_space<hbm>> -> memref<16xf32, #tpu.memory_space<hbm>>
    %dma_wait3A_120 = arith.constant 0 : i32
    %dma_wait3A_121 = tpu.memref_slice %arg7[%arg1, %dma_wait3A_120] : memref<16x16xf32, #tpu.memory_space<hbm>> -> memref<1x16xf32, #tpu.memory_space<hbm>>
    %dma_wait3A_122 = tpu.memref_squeeze %dma_wait3A_121 : memref<1x16xf32, #tpu.memory_space<hbm>> -> memref<16xf32, #tpu.memory_space<hbm>>
    tpu.wait_dma2 semaphore(%arg20 : memref<!tpu.dma_semaphore, #tpu.memory_space<semaphore_mem>>) src(%arg11 : memref<16xf32, #tpu.memory_space<vmem>>) dst(%dma_wait3A_122 : memref<16xf32, #tpu.memory_space<hbm>>)
    %barrier3A = arith.constant 0 : index
    tpu.barrier barrier_id(%barrier3A)
    "tpu.region"() ({
      %run_scoped3A = tpu.sem_alloc : memref<!tpu.dma_semaphore, #tpu.memory_space<semaphore_mem>>
      tpu.enqueue_dma source(%arg7 : memref<16x16xf32, #tpu.memory_space<hbm>>) target(%arg12 : memref<16x16xf32, #tpu.memory_space<vmem>>) target_semaphore(%run_scoped3A : memref<!tpu.dma_semaphore, #tpu.memory_space<semaphore_mem>>)
      tpu.wait_dma2 semaphore(%run_scoped3A : memref<!tpu.dma_semaphore, #tpu.memory_space<semaphore_mem>>) src(%arg7 : memref<16x16xf32, #tpu.memory_space<hbm>>) dst(%arg12 : memref<16x16xf32, #tpu.memory_space<vmem>>)
      tpu.yield
    }) : () -> ()
    %add3A_123 = arith.constant 0 : i32
    %add3A_124 = vector.broadcast %add3A_123 : i32 to vector<16xi32>
    %add3A_125 = arith.addi %iota3A, %add3A_124 : vector<16xi32>
    %shift_right_logical3A = arith.constant 2 : i32
    %shift_right_logical3A_126 = vector.broadcast %shift_right_logical3A : i32 to vector<16xi32>
    %shift_right_logical3A_127 = arith.shrui %add3A_125, %shift_right_logical3A_126 : vector<16xi32>
    %and3A = arith.constant 3 : i32
    %and3A_128 = vector.broadcast %and3A : i32 to vector<16xi32>
    %and3A_129 = arith.andi %add3A_125, %and3A_128 : vector<16xi32>
    %shift_left3A = arith.constant 1 : i32
    %shift_left3A_130 = vector.broadcast %shift_left3A : i32 to vector<16xi32>
    %shift_left3A_131 = arith.shli %and3A_129, %shift_left3A_130 : vector<16xi32>
    %gather3A = tpu.vector_load_idx %arg12[%shift_right_logical3A_127, %shift_left3A_131] : memref<16x16xf32, #tpu.memory_space<vmem>>[vector<16xi32>, vector<16xi32>], vector<16xf32>,
    %swap3A_132 = arith.constant 0 : index
    %swap3A_133 = tpu.vector_load %arg13[%swap3A_132] {strides = array<i32>} : memref<64xf32, #tpu.memory_space<vmem>>, vector<16xf32>,
    tpu.vector_store %arg13[%swap3A_132], %gather3A {strides = array<i32>} : memref<64xf32, #tpu.memory_space<vmem>>, vector<16xf32>,
    %add3A_134 = arith.constant 1 : i32
    %add3A_135 = vector.broadcast %add3A_134 : i32 to vector<16xi32>
    %add3A_136 = arith.addi %shift_left3A_131, %add3A_135 : vector<16xi32>
    %gather3A_137 = tpu.vector_load_idx %arg12[%shift_right_logical3A_127, %add3A_136] : memref<16x16xf32, #tpu.memory_space<vmem>>[vector<16xi32>, vector<16xi32>], vector<16xf32>,
    %swap3A_138 = arith.constant 0 : index
    %swap3A_139 = tpu.vector_load %arg14[%swap3A_138] {strides = array<i32>} : memref<64xf32, #tpu.memory_space<vmem>>, vector<16xf32>,
    tpu.vector_store %arg14[%swap3A_138], %gather3A_137 {strides = array<i32>} : memref<64xf32, #tpu.memory_space<vmem>>, vector<16xf32>,
    %add3A_140 = arith.constant 16 : i32
    %add3A_141 = vector.broadcast %add3A_140 : i32 to vector<16xi32>
    %add3A_142 = arith.addi %iota3A, %add3A_141 : vector<16xi32>
    %shift_right_logical3A_143 = arith.constant 2 : i32
    %shift_right_logical3A_144 = vector.broadcast %shift_right_logical3A_143 : i32 to vector<16xi32>
    %shift_right_logical3A_145 = arith.shrui %add3A_142, %shift_right_logical3A_144 : vector<16xi32>
    %and3A_146 = arith.constant 3 : i32
    %and3A_147 = vector.broadcast %and3A_146 : i32 to vector<16xi32>
    %and3A_148 = arith.andi %add3A_142, %and3A_147 : vector<16xi32>
    %shift_left3A_149 = arith.constant 1 : i32
    %shift_left3A_150 = vector.broadcast %shift_left3A_149 : i32 to vector<16xi32>
    %shift_left3A_151 = arith.shli %and3A_148, %shift_left3A_150 : vector<16xi32>
    %gather3A_152 = tpu.vector_load_idx %arg12[%shift_right_logical3A_145, %shift_left3A_151] : memref<16x16xf32, #tpu.memory_space<vmem>>[vector<16xi32>, vector<16xi32>], vector<16xf32>,
    %swap3A_153 = arith.constant 16 : index
    %swap3A_154 = tpu.vector_load %arg13[%swap3A_153] {strides = array<i32>} : memref<64xf32, #tpu.memory_space<vmem>>, vector<16xf32>,
    tpu.vector_store %arg13[%swap3A_153], %gather3A_152 {strides = array<i32>} : memref<64xf32, #tpu.memory_space<vmem>>, vector<16xf32>,
    %add3A_155 = arith.constant 1 : i32
    %add3A_156 = vector.broadcast %add3A_155 : i32 to vector<16xi32>
    %add3A_157 = arith.addi %shift_left3A_151, %add3A_156 : vector<16xi32>
    %gather3A_158 = tpu.vector_load_idx %arg12[%shift_right_logical3A_145, %add3A_157] : memref<16x16xf32, #tpu.memory_space<vmem>>[vector<16xi32>, vector<16xi32>], vector<16xf32>,
    %swap3A_159 = arith.constant 16 : index
    %swap3A_160 = tpu.vector_load %arg14[%swap3A_159] {strides = array<i32>} : memref<64xf32, #tpu.memory_space<vmem>>, vector<16xf32>,
    tpu.vector_store %arg14[%swap3A_159], %gather3A_158 {strides = array<i32>} : memref<64xf32, #tpu.memory_space<vmem>>, vector<16xf32>,
    %add3A_161 = arith.constant 32 : i32
    %add3A_162 = vector.broadcast %add3A_161 : i32 to vector<16xi32>
    %add3A_163 = arith.addi %iota3A, %add3A_162 : vector<16xi32>
    %shift_right_logical3A_164 = arith.constant 2 : i32
    %shift_right_logical3A_165 = vector.broadcast %shift_right_logical3A_164 : i32 to vector<16xi32>
    %shift_right_logical3A_166 = arith.shrui %add3A_163, %shift_right_logical3A_165 : vector<16xi32>
    %and3A_167 = arith.constant 3 : i32
    %and3A_168 = vector.broadcast %and3A_167 : i32 to vector<16xi32>
    %and3A_169 = arith.andi %add3A_163, %and3A_168 : vector<16xi32>
    %shift_left3A_170 = arith.constant 1 : i32
    %shift_left3A_171 = vector.broadcast %shift_left3A_170 : i32 to vector<16xi32>
    %shift_left3A_172 = arith.shli %and3A_169, %shift_left3A_171 : vector<16xi32>
    %gather3A_173 = tpu.vector_load_idx %arg12[%shift_right_logical3A_166, %shift_left3A_172] : memref<16x16xf32, #tpu.memory_space<vmem>>[vector<16xi32>, vector<16xi32>], vector<16xf32>,
    %swap3A_174 = arith.constant 32 : index
    %swap3A_175 = tpu.vector_load %arg13[%swap3A_174] {strides = array<i32>} : memref<64xf32, #tpu.memory_space<vmem>>, vector<16xf32>,
    tpu.vector_store %arg13[%swap3A_174], %gather3A_173 {strides = array<i32>} : memref<64xf32, #tpu.memory_space<vmem>>, vector<16xf32>,
    %add3A_176 = arith.constant 1 : i32
    %add3A_177 = vector.broadcast %add3A_176 : i32 to vector<16xi32>
    %add3A_178 = arith.addi %shift_left3A_172, %add3A_177 : vector<16xi32>
    %gather3A_179 = tpu.vector_load_idx %arg12[%shift_right_logical3A_166, %add3A_178] : memref<16x16xf32, #tpu.memory_space<vmem>>[vector<16xi32>, vector<16xi32>], vector<16xf32>,
    %swap3A_180 = arith.constant 32 : index
    %swap3A_181 = tpu.vector_load %arg14[%swap3A_180] {strides = array<i32>} : memref<64xf32, #tpu.memory_space<vmem>>, vector<16xf32>,
    tpu.vector_store %arg14[%swap3A_180], %gather3A_179 {strides = array<i32>} : memref<64xf32, #tpu.memory_space<vmem>>, vector<16xf32>,
    %add3A_182 = arith.constant 48 : i32
    %add3A_183 = vector.broadcast %add3A_182 : i32 to vector<16xi32>
    %add3A_184 = arith.addi %iota3A, %add3A_183 : vector<16xi32>
    %shift_right_logical3A_185 = arith.constant 2 : i32
    %shift_right_logical3A_186 = vector.broadcast %shift_right_logical3A_185 : i32 to vector<16xi32>
    %shift_right_logical3A_187 = arith.shrui %add3A_184, %shift_right_logical3A_186 : vector<16xi32>
    %and3A_188 = arith.constant 3 : i32
    %and3A_189 = vector.broadcast %and3A_188 : i32 to vector<16xi32>
    %and3A_190 = arith.andi %add3A_184, %and3A_189 : vector<16xi32>
    %shift_left3A_191 = arith.constant 1 : i32
    %shift_left3A_192 = vector.broadcast %shift_left3A_191 : i32 to vector<16xi32>
    %shift_left3A_193 = arith.shli %and3A_190, %shift_left3A_192 : vector<16xi32>
    %gather3A_194 = tpu.vector_load_idx %arg12[%shift_right_logical3A_187, %shift_left3A_193] : memref<16x16xf32, #tpu.memory_space<vmem>>[vector<16xi32>, vector<16xi32>], vector<16xf32>,
    %swap3A_195 = arith.constant 48 : index
    %swap3A_196 = tpu.vector_load %arg13[%swap3A_195] {strides = array<i32>} : memref<64xf32, #tpu.memory_space<vmem>>, vector<16xf32>,
    tpu.vector_store %arg13[%swap3A_195], %gather3A_194 {strides = array<i32>} : memref<64xf32, #tpu.memory_space<vmem>>, vector<16xf32>,
    %add3A_197 = arith.constant 1 : i32
    %add3A_198 = vector.broadcast %add3A_197 : i32 to vector<16xi32>
    %add3A_199 = arith.addi %shift_left3A_193, %add3A_198 : vector<16xi32>
    %gather3A_200 = tpu.vector_load_idx %arg12[%shift_right_logical3A_187, %add3A_199] : memref<16x16xf32, #tpu.memory_space<vmem>>[vector<16xi32>, vector<16xi32>], vector<16xf32>,
    %swap3A_201 = arith.constant 48 : index
    %swap3A_202 = tpu.vector_load %arg14[%swap3A_201] {strides = array<i32>} : memref<64xf32, #tpu.memory_space<vmem>>, vector<16xf32>,
    tpu.vector_store %arg14[%swap3A_201], %gather3A_200 {strides = array<i32>} : memref<64xf32, #tpu.memory_space<vmem>>, vector<16xf32>,
    %dma_wait3A_203 = arith.constant 0 : i32
    %dma_wait3A_204 = arith.constant 0 : i32
    %dma_wait3A_205 = tpu.memref_slice %arg4[%dma_wait3A_203, %dma_wait3A_204] : memref<1024x2xf32, #tpu.memory_space<hbm>> -> memref<64x2xf32, #tpu.memory_space<hbm>>
    %dma_wait3A_206 = arith.constant 0 : i32
    %dma_wait3A_207 = arith.constant 0 : i32
    %dma_wait3A_208 = tpu.memref_slice %arg4[%dma_wait3A_206, %dma_wait3A_207] : memref<1024x2xf32, #tpu.memory_space<hbm>> -> memref<64x2xf32, #tpu.memory_space<hbm>>
    tpu.wait_dma2 semaphore(%arg19 : memref<!tpu.dma_semaphore, #tpu.memory_space<semaphore_mem>>) src(%dma_wait3A_208 : memref<64x2xf32, #tpu.memory_space<hbm>>) dst(%arg10 : memref<64x2xf32, #tpu.memory_space<vmem>>)
    %add3A_209 = arith.constant 0 : i32
    %add3A_210 = vector.broadcast %add3A_209 : i32 to vector<16xi32>
    %add3A_211 = arith.addi %iota3A, %add3A_210 : vector<16xi32>
    %add3A_212 = arith.constant 16 : i32
    %add3A_213 = vector.broadcast %add3A_212 : i32 to vector<16xi32>
    %add3A_214 = arith.addi %iota3A, %add3A_213 : vector<16xi32>
    %add3A_215 = arith.constant 32 : i32
    %add3A_216 = vector.broadcast %add3A_215 : i32 to vector<16xi32>
    %add3A_217 = arith.addi %iota3A, %add3A_216 : vector<16xi32>
    %add3A_218 = arith.constant 48 : i32
    %add3A_219 = vector.broadcast %add3A_218 : i32 to vector<16xi32>
    %add3A_220 = arith.addi %iota3A, %add3A_219 : vector<16xi32>
    %mul3A_221 = arith.constant 64 : i32
    %mul3A_222 = vector.broadcast %mul3A_221 : i32 to vector<16xi32>
    %mul3A_223 = arith.muli %add3A_211, %mul3A_222 : vector<16xi32>
    %mul3A_224 = arith.constant 64 : i32
    %mul3A_225 = vector.broadcast %mul3A_224 : i32 to vector<16xi32>
    %mul3A_226 = arith.muli %add3A_214, %mul3A_225 : vector<16xi32>
    %mul3A_227 = arith.constant 64 : i32
    %mul3A_228 = vector.broadcast %mul3A_227 : i32 to vector<16xi32>
    %mul3A_229 = arith.muli %add3A_217, %mul3A_228 : vector<16xi32>
    %mul3A_230 = arith.constant 64 : i32
    %mul3A_231 = vector.broadcast %mul3A_230 : i32 to vector<16xi32>
    %mul3A_232 = arith.muli %add3A_220, %mul3A_231 : vector<16xi32>
    %broadcast_in_dim3A_233 = arith.constant 0x7F800000 : f32
    %broadcast_in_dim3A_234 = vector.broadcast %broadcast_in_dim3A_233 : f32 to vector<16xf32>
    %parallel_loop3A_235 = arith.constant 0 : i32
    %parallel_loop3A_236 = arith.constant 64 : i32
    %parallel_loop3A_237 = arith.constant 1 : i32
    %parallel_loop3A_238:8 = scf.for %parallel_loop3A_270 = %parallel_loop3A_235 to %parallel_loop3A_236 step %parallel_loop3A_237 iter_args(%parallel_loop3A_271 = %broadcast_in_dim3A_234, %parallel_loop3A_272 = %broadcast_in_dim3A_234, %parallel_loop3A_273 = %broadcast_in_dim3A_234, %parallel_loop3A_274 = %broadcast_in_dim3A_234, %parallel_loop3A_275 = %broadcast_in_dim3A_3, %parallel_loop3A_276 = %broadcast_in_dim3A_3, %parallel_loop3A_277 = %broadcast_in_dim3A_3, %parallel_loop3A_278 = %broadcast_in_dim3A_3) -> (vector<16xf32>, vector<16xf32>, vector<16xf32>, vector<16xf32>, vector<16xi32>, vector<16xi32>, vector<16xi32>, vector<16xi32>)  : i32 {
      %parallel_loop3A_279 = vector.broadcast %parallel_loop3A_270 : i32 to vector<16xi32>
      %parallel_loop3A_280 = arith.addi %broadcast_in_dim3A_3, %parallel_loop3A_279 : vector<16xi32>
      %parallel_loop3A_281 = tpu.vector_load_idx %arg13[%parallel_loop3A_280] : memref<64xf32, #tpu.memory_space<vmem>>[vector<16xi32>], vector<16xf32>,
      %parallel_loop3A_282 = tpu.vector_load_idx %arg14[%parallel_loop3A_280] : memref<64xf32, #tpu.memory_space<vmem>>[vector<16xi32>], vector<16xf32>,
      %parallel_loop3A_283 = arith.addi %parallel_loop3A_280, %add3A_211 : vector<16xi32>
      %parallel_loop3A_284 = arith.constant 63 : i32
      %parallel_loop3A_285 = vector.broadcast %parallel_loop3A_284 : i32 to vector<16xi32>
      %parallel_loop3A_286 = arith.andi %parallel_loop3A_283, %parallel_loop3A_285 : vector<16xi32>
      %parallel_loop3A_287 = arith.addi %mul3A_223, %parallel_loop3A_286 : vector<16xi32>
      %parallel_loop3A_288 = tpu.vector_load_idx %arg15[%parallel_loop3A_287] : memref<4096xf32, #tpu.memory_space<vmem>>[vector<16xi32>], vector<16xf32>,
      %parallel_loop3A_289 = arith.subf %parallel_loop3A_288, %parallel_loop3A_281 : vector<16xf32>
      %parallel_loop3A_290 = arith.constant 9.99999997E-7 : f32
      %parallel_loop3A_291 = vector.broadcast %parallel_loop3A_290 : f32 to vector<16xf32>
      %parallel_loop3A_292 = arith.addf %parallel_loop3A_289, %parallel_loop3A_291 : vector<16xf32>
      %parallel_loop3A_293 = arith.mulf %parallel_loop3A_292, %parallel_loop3A_292 : vector<16xf32>
      %parallel_loop3A_294 = arith.constant 1.024000e+03 : f32
      %parallel_loop3A_295 = vector.broadcast %parallel_loop3A_294 : f32 to vector<16xf32>
      %parallel_loop3A_296 = arith.mulf %parallel_loop3A_293, %parallel_loop3A_295 : vector<16xf32>
      %parallel_loop3A_297 = arith.addf %parallel_loop3A_296, %parallel_loop3A_282 : vector<16xf32>
      %parallel_loop3A_298 = arith.cmpf olt, %parallel_loop3A_297, %parallel_loop3A_271 : vector<16xf32>
      %parallel_loop3A_299 = arith.select %parallel_loop3A_298, %parallel_loop3A_297, %parallel_loop3A_271 : vector<16xi1>, vector<16xf32>
      %parallel_loop3A_300 = arith.select %parallel_loop3A_298, %parallel_loop3A_280, %parallel_loop3A_275 : vector<16xi1>, vector<16xi32>
      %parallel_loop3A_301 = arith.addi %parallel_loop3A_280, %add3A_214 : vector<16xi32>
      %parallel_loop3A_302 = arith.constant 63 : i32
      %parallel_loop3A_303 = vector.broadcast %parallel_loop3A_302 : i32 to vector<16xi32>
      %parallel_loop3A_304 = arith.andi %parallel_loop3A_301, %parallel_loop3A_303 : vector<16xi32>
      %parallel_loop3A_305 = arith.addi %mul3A_226, %parallel_loop3A_304 : vector<16xi32>
      %parallel_loop3A_306 = tpu.vector_load_idx %arg15[%parallel_loop3A_305] : memref<4096xf32, #tpu.memory_space<vmem>>[vector<16xi32>], vector<16xf32>,
      %parallel_loop3A_307 = arith.subf %parallel_loop3A_306, %parallel_loop3A_281 : vector<16xf32>
      %parallel_loop3A_308 = arith.constant 9.99999997E-7 : f32
      %parallel_loop3A_309 = vector.broadcast %parallel_loop3A_308 : f32 to vector<16xf32>
      %parallel_loop3A_310 = arith.addf %parallel_loop3A_307, %parallel_loop3A_309 : vector<16xf32>
      %parallel_loop3A_311 = arith.mulf %parallel_loop3A_310, %parallel_loop3A_310 : vector<16xf32>
      %parallel_loop3A_312 = arith.constant 1.024000e+03 : f32
      %parallel_loop3A_313 = vector.broadcast %parallel_loop3A_312 : f32 to vector<16xf32>
      %parallel_loop3A_314 = arith.mulf %parallel_loop3A_311, %parallel_loop3A_313 : vector<16xf32>
      %parallel_loop3A_315 = arith.addf %parallel_loop3A_314, %parallel_loop3A_282 : vector<16xf32>
      %parallel_loop3A_316 = arith.cmpf olt, %parallel_loop3A_315, %parallel_loop3A_272 : vector<16xf32>
      %parallel_loop3A_317 = arith.select %parallel_loop3A_316, %parallel_loop3A_315, %parallel_loop3A_272 : vector<16xi1>, vector<16xf32>
      %parallel_loop3A_318 = arith.select %parallel_loop3A_316, %parallel_loop3A_280, %parallel_loop3A_276 : vector<16xi1>, vector<16xi32>
      %parallel_loop3A_319 = arith.addi %parallel_loop3A_280, %add3A_217 : vector<16xi32>
      %parallel_loop3A_320 = arith.constant 63 : i32
      %parallel_loop3A_321 = vector.broadcast %parallel_loop3A_320 : i32 to vector<16xi32>
      %parallel_loop3A_322 = arith.andi %parallel_loop3A_319, %parallel_loop3A_321 : vector<16xi32>
      %parallel_loop3A_323 = arith.addi %mul3A_229, %parallel_loop3A_322 : vector<16xi32>
      %parallel_loop3A_324 = tpu.vector_load_idx %arg15[%parallel_loop3A_323] : memref<4096xf32, #tpu.memory_space<vmem>>[vector<16xi32>], vector<16xf32>,
      %parallel_loop3A_325 = arith.subf %parallel_loop3A_324, %parallel_loop3A_281 : vector<16xf32>
      %parallel_loop3A_326 = arith.constant 9.99999997E-7 : f32
      %parallel_loop3A_327 = vector.broadcast %parallel_loop3A_326 : f32 to vector<16xf32>
      %parallel_loop3A_328 = arith.addf %parallel_loop3A_325, %parallel_loop3A_327 : vector<16xf32>
      %parallel_loop3A_329 = arith.mulf %parallel_loop3A_328, %parallel_loop3A_328 : vector<16xf32>
      %parallel_loop3A_330 = arith.constant 1.024000e+03 : f32
      %parallel_loop3A_331 = vector.broadcast %parallel_loop3A_330 : f32 to vector<16xf32>
      %parallel_loop3A_332 = arith.mulf %parallel_loop3A_329, %parallel_loop3A_331 : vector<16xf32>
      %parallel_loop3A_333 = arith.addf %parallel_loop3A_332, %parallel_loop3A_282 : vector<16xf32>
      %parallel_loop3A_334 = arith.cmpf olt, %parallel_loop3A_333, %parallel_loop3A_273 : vector<16xf32>
      %parallel_loop3A_335 = arith.select %parallel_loop3A_334, %parallel_loop3A_333, %parallel_loop3A_273 : vector<16xi1>, vector<16xf32>
      %parallel_loop3A_336 = arith.select %parallel_loop3A_334, %parallel_loop3A_280, %parallel_loop3A_277 : vector<16xi1>, vector<16xi32>
      %parallel_loop3A_337 = arith.addi %parallel_loop3A_280, %add3A_220 : vector<16xi32>
      %parallel_loop3A_338 = arith.constant 63 : i32
      %parallel_loop3A_339 = vector.broadcast %parallel_loop3A_338 : i32 to vector<16xi32>
      %parallel_loop3A_340 = arith.andi %parallel_loop3A_337, %parallel_loop3A_339 : vector<16xi32>
      %parallel_loop3A_341 = arith.addi %mul3A_232, %parallel_loop3A_340 : vector<16xi32>
      %parallel_loop3A_342 = tpu.vector_load_idx %arg15[%parallel_loop3A_341] : memref<4096xf32, #tpu.memory_space<vmem>>[vector<16xi32>], vector<16xf32>,
      %parallel_loop3A_343 = arith.subf %parallel_loop3A_342, %parallel_loop3A_281 : vector<16xf32>
      %parallel_loop3A_344 = arith.constant 9.99999997E-7 : f32
      %parallel_loop3A_345 = vector.broadcast %parallel_loop3A_344 : f32 to vector<16xf32>
      %parallel_loop3A_346 = arith.addf %parallel_loop3A_343, %parallel_loop3A_345 : vector<16xf32>
      %parallel_loop3A_347 = arith.mulf %parallel_loop3A_346, %parallel_loop3A_346 : vector<16xf32>
      %parallel_loop3A_348 = arith.constant 1.024000e+03 : f32
      %parallel_loop3A_349 = vector.broadcast %parallel_loop3A_348 : f32 to vector<16xf32>
      %parallel_loop3A_350 = arith.mulf %parallel_loop3A_347, %parallel_loop3A_349 : vector<16xf32>
      %parallel_loop3A_351 = arith.addf %parallel_loop3A_350, %parallel_loop3A_282 : vector<16xf32>
      %parallel_loop3A_352 = arith.cmpf olt, %parallel_loop3A_351, %parallel_loop3A_274 : vector<16xf32>
      %parallel_loop3A_353 = arith.select %parallel_loop3A_352, %parallel_loop3A_351, %parallel_loop3A_274 : vector<16xi1>, vector<16xf32>
      %parallel_loop3A_354 = arith.select %parallel_loop3A_352, %parallel_loop3A_280, %parallel_loop3A_278 : vector<16xi1>, vector<16xi32>
      scf.yield %parallel_loop3A_299, %parallel_loop3A_317, %parallel_loop3A_335, %parallel_loop3A_353, %parallel_loop3A_300, %parallel_loop3A_318, %parallel_loop3A_336, %parallel_loop3A_354 : vector<16xf32>, vector<16xf32>, vector<16xf32>, vector<16xf32>, vector<16xi32>, vector<16xi32>, vector<16xi32>, vector<16xi32>
    } {sc.loop_unroll_factor = 4 : i64, sc.parallel_access}
    %add3A_239 = arith.constant 1 : i32
    %add3A_240 = vector.broadcast %add3A_239 : i32 to vector<16xi32>
    %add3A_241 = arith.addi %broadcast_in_dim3A_3, %add3A_240 : vector<16xi32>
    %gather3A_242 = tpu.vector_load_idx %arg10[%parallel_loop3A_238#4, %broadcast_in_dim3A_3] : memref<64x2xf32, #tpu.memory_space<vmem>>[vector<16xi32>, vector<16xi32>], vector<16xf32>,
    %gather3A_243 = tpu.vector_load_idx %arg10[%parallel_loop3A_238#4, %add3A_241] : memref<64x2xf32, #tpu.memory_space<vmem>>[vector<16xi32>, vector<16xi32>], vector<16xf32>,
    tpu.vector_store_idx %arg16[%add3A_211, %broadcast_in_dim3A_3], %gather3A_242 : memref<64x2xf32, #tpu.memory_space<vmem>>[vector<16xi32>, vector<16xi32>], vector<16xf32>,
    tpu.vector_store_idx %arg16[%add3A_211, %add3A_241], %gather3A_243 : memref<64x2xf32, #tpu.memory_space<vmem>>[vector<16xi32>, vector<16xi32>], vector<16xf32>,
    %swap3A_244 = arith.constant 0 : index
    %swap3A_245 = tpu.vector_load %arg17[%swap3A_244] {strides = array<i32>} : memref<64xf32, #tpu.memory_space<vmem>>, vector<16xf32>,
    tpu.vector_store %arg17[%swap3A_244], %parallel_loop3A_238#0 {strides = array<i32>} : memref<64xf32, #tpu.memory_space<vmem>>, vector<16xf32>,
    %gather3A_246 = tpu.vector_load_idx %arg10[%parallel_loop3A_238#5, %broadcast_in_dim3A_3] : memref<64x2xf32, #tpu.memory_space<vmem>>[vector<16xi32>, vector<16xi32>], vector<16xf32>,
    %gather3A_247 = tpu.vector_load_idx %arg10[%parallel_loop3A_238#5, %add3A_241] : memref<64x2xf32, #tpu.memory_space<vmem>>[vector<16xi32>, vector<16xi32>], vector<16xf32>,
    tpu.vector_store_idx %arg16[%add3A_214, %broadcast_in_dim3A_3], %gather3A_246 : memref<64x2xf32, #tpu.memory_space<vmem>>[vector<16xi32>, vector<16xi32>], vector<16xf32>,
    tpu.vector_store_idx %arg16[%add3A_214, %add3A_241], %gather3A_247 : memref<64x2xf32, #tpu.memory_space<vmem>>[vector<16xi32>, vector<16xi32>], vector<16xf32>,
    %swap3A_248 = arith.constant 16 : index
    %swap3A_249 = tpu.vector_load %arg17[%swap3A_248] {strides = array<i32>} : memref<64xf32, #tpu.memory_space<vmem>>, vector<16xf32>,
    tpu.vector_store %arg17[%swap3A_248], %parallel_loop3A_238#1 {strides = array<i32>} : memref<64xf32, #tpu.memory_space<vmem>>, vector<16xf32>,
    %gather3A_250 = tpu.vector_load_idx %arg10[%parallel_loop3A_238#6, %broadcast_in_dim3A_3] : memref<64x2xf32, #tpu.memory_space<vmem>>[vector<16xi32>, vector<16xi32>], vector<16xf32>,
    %gather3A_251 = tpu.vector_load_idx %arg10[%parallel_loop3A_238#6, %add3A_241] : memref<64x2xf32, #tpu.memory_space<vmem>>[vector<16xi32>, vector<16xi32>], vector<16xf32>,
    tpu.vector_store_idx %arg16[%add3A_217, %broadcast_in_dim3A_3], %gather3A_250 : memref<64x2xf32, #tpu.memory_space<vmem>>[vector<16xi32>, vector<16xi32>], vector<16xf32>,
    tpu.vector_store_idx %arg16[%add3A_217, %add3A_241], %gather3A_251 : memref<64x2xf32, #tpu.memory_space<vmem>>[vector<16xi32>, vector<16xi32>], vector<16xf32>,
    %swap3A_252 = arith.constant 32 : index
    %swap3A_253 = tpu.vector_load %arg17[%swap3A_252] {strides = array<i32>} : memref<64xf32, #tpu.memory_space<vmem>>, vector<16xf32>,
    tpu.vector_store %arg17[%swap3A_252], %parallel_loop3A_238#2 {strides = array<i32>} : memref<64xf32, #tpu.memory_space<vmem>>, vector<16xf32>,
    %gather3A_254 = tpu.vector_load_idx %arg10[%parallel_loop3A_238#7, %broadcast_in_dim3A_3] : memref<64x2xf32, #tpu.memory_space<vmem>>[vector<16xi32>, vector<16xi32>], vector<16xf32>,
    %gather3A_255 = tpu.vector_load_idx %arg10[%parallel_loop3A_238#7, %add3A_241] : memref<64x2xf32, #tpu.memory_space<vmem>>[vector<16xi32>, vector<16xi32>], vector<16xf32>,
    tpu.vector_store_idx %arg16[%add3A_220, %broadcast_in_dim3A_3], %gather3A_254 : memref<64x2xf32, #tpu.memory_space<vmem>>[vector<16xi32>, vector<16xi32>], vector<16xf32>,
    tpu.vector_store_idx %arg16[%add3A_220, %add3A_241], %gather3A_255 : memref<64x2xf32, #tpu.memory_space<vmem>>[vector<16xi32>, vector<16xi32>], vector<16xf32>,
    %swap3A_256 = arith.constant 48 : index
    %swap3A_257 = tpu.vector_load %arg17[%swap3A_256] {strides = array<i32>} : memref<64xf32, #tpu.memory_space<vmem>>, vector<16xf32>,
    tpu.vector_store %arg17[%swap3A_256], %parallel_loop3A_238#3 {strides = array<i32>} : memref<64xf32, #tpu.memory_space<vmem>>, vector<16xf32>,
    %dma_start3A_258 = arith.constant 0 : i32
    %dma_start3A_259 = tpu.memref_slice %arg5[%mul3A_2, %dma_start3A_258] : memref<2048x2xf32, #tpu.memory_space<hbm>> -> memref<64x2xf32, #tpu.memory_space<hbm>>
    %dma_start3A_260 = arith.constant 0 : i32
    %dma_start3A_261 = tpu.memref_slice %arg5[%mul3A_2, %dma_start3A_260] : memref<2048x2xf32, #tpu.memory_space<hbm>> -> memref<64x2xf32, #tpu.memory_space<hbm>>
    tpu.enqueue_dma source(%arg16 : memref<64x2xf32, #tpu.memory_space<vmem>>) target(%dma_start3A_261 : memref<64x2xf32, #tpu.memory_space<hbm>>) target_semaphore(%arg18 : memref<!tpu.dma_semaphore, #tpu.memory_space<semaphore_mem>>)
    %dma_start3A_262 = tpu.memref_slice %arg6[%mul3A_2] : memref<2048xf32, #tpu.memory_space<hbm>> -> memref<64xf32, #tpu.memory_space<hbm>>
    %dma_start3A_263 = tpu.memref_slice %arg6[%mul3A_2] : memref<2048xf32, #tpu.memory_space<hbm>> -> memref<64xf32, #tpu.memory_space<hbm>>
    tpu.enqueue_dma source(%arg17 : memref<64xf32, #tpu.memory_space<vmem>>) target(%dma_start3A_263 : memref<64xf32, #tpu.memory_space<hbm>>) target_semaphore(%arg19 : memref<!tpu.dma_semaphore, #tpu.memory_space<semaphore_mem>>)
    %dma_wait3A_264 = arith.constant 0 : i32
    %dma_wait3A_265 = tpu.memref_slice %arg5[%mul3A_2, %dma_wait3A_264] : memref<2048x2xf32, #tpu.memory_space<hbm>> -> memref<64x2xf32, #tpu.memory_space<hbm>>
    %dma_wait3A_266 = arith.constant 0 : i32
    %dma_wait3A_267 = tpu.memref_slice %arg5[%mul3A_2, %dma_wait3A_266] : memref<2048x2xf32, #tpu.memory_space<hbm>> -> memref<64x2xf32, #tpu.memory_space<hbm>>
    tpu.wait_dma2 semaphore(%arg18 : memref<!tpu.dma_semaphore, #tpu.memory_space<semaphore_mem>>) src(%arg16 : memref<64x2xf32, #tpu.memory_space<vmem>>) dst(%dma_wait3A_267 : memref<64x2xf32, #tpu.memory_space<hbm>>)
    %dma_wait3A_268 = tpu.memref_slice %arg6[%mul3A_2] : memref<2048xf32, #tpu.memory_space<hbm>> -> memref<64xf32, #tpu.memory_space<hbm>>
    %dma_wait3A_269 = tpu.memref_slice %arg6[%mul3A_2] : memref<2048xf32, #tpu.memory_space<hbm>> -> memref<64xf32, #tpu.memory_space<hbm>>
    tpu.wait_dma2 semaphore(%arg19 : memref<!tpu.dma_semaphore, #tpu.memory_space<semaphore_mem>>) src(%arg17 : memref<64xf32, #tpu.memory_space<vmem>>) dst(%dma_wait3A_269 : memref<64xf32, #tpu.memory_space<hbm>>)
    return
  }
}

module attributes {stable_mosaic.version = 14 : i64} {
  func.func @_loss_body(%arg0: memref<16x128xf32, #tpu.memory_space<vmem>>, %arg1: memref<1x1xf32, #tpu.memory_space<vmem>>) attributes {dimension_semantics = [], scalar_prefetch = 0 : i64, scratch_operands = 0 : i64, tpu.core_type = #tpu.core_type<tc>} {
    %get3A = arith.constant 0 : index
    %get3A_0 = arith.constant 0 : index
    %get3A_1 = vector.load %arg0[%get3A, %get3A_0] : memref<16x128xf32, #tpu.memory_space<vmem>>, vector<16x128xf32>
    %sqrt3A = math.sqrt %get3A_1 : vector<16x128xf32>
    %reduce_sum3A = vector.shape_cast %sqrt3A : vector<16x128xf32> to vector<1x16x128xf32>
    %reduce_sum3A_2 = arith.constant dense<0.000000e+00> : vector<1xf32>
    %reduce_sum3A_3 = vector.multi_reduction <add>, %reduce_sum3A, %reduce_sum3A_2 [1, 2] : vector<1x16x128xf32> to vector<1xf32>
    %reduce_sum3A_4 = vector.shape_cast %reduce_sum3A_3 : vector<1xf32> to vector<1x1x1xf32>
    %reduce_sum3A_5 = vector.extract %reduce_sum3A_4[0, 0, 0] : f32 from vector<1x1x1xf32>
    %mul3A = arith.constant 4.8828125E-4 : f32
    %mul3A_6 = arith.mulf %reduce_sum3A_5, %mul3A : f32
    %reshape3A = vector.broadcast %mul3A_6 : f32 to vector<1x1xf32>
    %swap3A = arith.constant 0 : index
    %swap3A_7 = arith.constant 0 : index
    %swap3A_8 = vector.load %arg1[%swap3A, %swap3A_7] : memref<1x1xf32, #tpu.memory_space<vmem>>, vector<1x1xf32>
    tpu.vector_store %arg1[%swap3A, %swap3A_7], %reshape3A {strides = array<i32>} : memref<1x1xf32, #tpu.memory_space<vmem>>, vector<1x1xf32>,
    return
  }
}

</mosaic_0001>

<sc_bundles>
// kernel: kernel.4.cloned.1.call-start
scs
__scs_entry_jumppad:
0x0: {  	(pc) =	sbr.rel $0x88, $3  }
0x1: {  	(tag) =	ssettag $0x0;
	lr =	simm.s32 $0x1  }
0x2: {  	[smem:$0x3F9E] =	sst lr;
	_ =	strace $0xD0000000  }
0x3: {  	_ = 	snop  }
0x4: {  	_ = 	snop  }
0x5: {  	_ = 	snop  }
0x6: {  	_ = 	snop  }
0x7: {  	_ = 	snop  }
__scs_overlays_trampoline_lowered:
0x8: {  	[smem:$0x3FAD] =	sst s0  }
0x9: {  	[smem:$0x3FAE] =	sst s1  }
0xa: {  	[smem:$0x3FAF] =	sst s2  }
0xb: {  	[smem:$0x3FB0] =	sst s3  }
0xc: {  	[smem:$0x3FB1] =	sst s4  }
0xd: {  	[smem:$0x3FB2] =	sst s5  }
0xe: {  	[smem:$0x3FB3] =	sst s6  }
0xf: {  	[smem:$0x3FB4] =	sst s7  }
0x10: {  	[smem:$0x3FB5] =	sst s8  }
0x11: {  	[smem:$0x3FB6] =	sst s9;
	s0 =	simm.s32 @!p0 $0x0  }
0x12: {  	s1 =	sld [smem:$0x3F9C];
	s0 =	simm.s32 @p0 $0x1  }
0x13: {  	[smem:$0x3FB7] =	sst s0;
	s0 =	simm.s32 @!p1 $0x0  }
0x14: {  	s2 =	sld [smem:$0x3F9B];
	s0 =	simm.s32 @p1 $0x1  }
0x15: {  	[smem:$0x3FB8] =	sst s0;
	s0 =	simm.s32 @!p2 $0x0  }
0x16: {  	s3 =	sld [smem:$0x3FDB];
	s0 =	simm.s32 @p2 $0x1  }
0x17: {  	s4 =	simm.s32 $0x1BF5;
	[smem:$0x3FBA] =	sst s0  }
0x18: {  	s0 =	sld [smem:$0x3F9D];
	_ =	swait.ge [sflag:s4], $0x0  }
0x19: {  	s7 =	sld [smem:$0x3F9E]  }
0x1a: {  	s8 =	sadd.s32 $0xFFFFE003, lr  }
0x1b: {  	s9 =	sadd.s32 $0xFFFFFEF7, lr;
	s5 =	simm.s32 $0xFFFFFFFF;
	p2 =	slt.u32 s8, $0xFFFFF086  }
0x1c: {  	p1 =	slt.u32 s9, $0xF7A;
	s5 =	simm.s32 @!p2 $0x0  }
0x1d: {  	s5 =	simm.s32 @p1 $0x1;
	p0 =	seq.s32 s7, s2  }
0x1e: {  	s7 =	smul.u32 @!p0 $0xF7A, s2;
	p2 =	seq.s32 @!p0 s5, $0x0  }
0x1f: {  	s9 =	smul.u32 $0xF7A, s1;
	s8 =	simm.s32 @!p0 $0x1BF5;
	p2 =	por !p2, p0  }
0x20: {  	[sflag:s8] =	ssyncset.s32 @!p0 $0xFFFFF086;
	s6 =	sadd.s32 @!p0 s3, s7;
	s7 =	simm.s32 @!p0 $0x108  }
0x21: {  	s3 =	sadd.s32 s3, s9;
	s6 =	sadd.s32 @!p0 $0x88, s6;
	s7 =	simm.s32 @p2 $0x1082  }
0x22: {  	[simem:s7], [sflag:s8] =	dma.local @!p0 [hbm:s6], $0xF7A  }
0x23: {  	s9 =	sor.u32 $0xD0000000, s2;
	s6 =	simm.s32 $0x108;
	_ =	swait.ge @!p0 [sflag:s8], $0x0  }
0x24: {  	s3 =	sadd.s32 $0x88, s3;
	s6 =	simm.s32 @!p1 $0x1082;
	[sflag:s4] =	ssyncset.s32 $0xFFFFF086  }
0x25: {  	[simem:s6], [sflag:s4] =	dma.local [hbm:s3], $0xF7A  }
0x26: {  	[smem:$0x3F9E] =	sst s1;
	(tag) =	ssettag s2;
	_ =	strace s9  }
0x27: {  	s1 =	sld [smem:$0x3FAE]  }
0x28: {  	s2 =	sld [smem:$0x3FAF]  }
0x29: {  	s4 =	sld [smem:$0x3FB1]  }
0x2a: {  	p0 =	seq.s32 s5, $0x0;
	s5 =	sld [smem:$0x3FB2]  }
0x2b: {  	s6 =	sld [smem:$0x3FB3]  }
0x2c: {  	s7 =	sld [smem:$0x3FB4]  }
0x2d: {  	s3 =	simm.s32 $0x108;
	s8 =	sld [smem:$0x3FB5]  }
0x2e: {  	s3 =	simm.s32 @!p0 $0x1082;
	s9 =	sld [smem:$0x3FB6]  }
0x2f: {  	lr =	sadd.s32 s0, s3;
	s0 =	sld [smem:$0x3FAD]  }
0x30: {  	s3 =	sld [smem:$0x3FB0]  }
0x31: {  	[smem:$0x3FB9] =	sst s10  }
0x32: {  	s10 =	sld [smem:$0x3FB7];
	_ =	sdelay $0x3  }
0x33: {  	p0 =	seq.s32 s10, $0x1;
	s10 =	sld [smem:$0x3FB9];
	_ =	sdelay $0x3  }
0x34: {  	[smem:$0x3FB9] =	sst s10  }
0x35: {  	s10 =	sld [smem:$0x3FB8];
	_ =	sdelay $0x3  }
0x36: {  	p1 =	seq.s32 s10, $0x1;
	s10 =	sld [smem:$0x3FB9];
	_ =	sdelay $0x3  }
0x37: {  	[smem:$0x3FB9] =	sst s10  }
0x38: {  	s10 =	sld [smem:$0x3FBA]  }
0x39: {  	_ = 	snop;
	(pc) =	sbr.ind lr, $3  }
0x3a: {  	_ = 	snop  }
0x3b: {  	_ = 	snop  }
0x3c: {  	p2 =	seq.s32 s10, $0x1;
	s10 =	sld [smem:$0x3FB9]  }
0x3d: {  	_ =	shalt  }
0x3e: {  	_ =	shalt  }
0x3f: {  	_ =	shalt  }
0x40: {  	_ =	shalt  }
0x41: {  	_ =	shalt  }
0x42: {  	_ =	shalt  }
0x43: {  	_ =	shalt  }
0x44: {  	_ =	shalt  }
0x45: {  	_ =	shalt  }
0x46: {  	_ =	shalt  }
0x47: {  	_ =	shalt  }
0x48: {  	_ =	shalt  }
0x49: {  	_ =	shalt  }
0x4a: {  	_ =	shalt  }
0x4b: {  	_ =	shalt  }
0x4c: {  	_ =	shalt  }
0x4d: {  	_ =	shalt  }
0x4e: {  	_ =	shalt  }
0x4f: {  	_ =	shalt  }
0x50: {  	_ =	shalt  }
0x51: {  	_ =	shalt  }
0x52: {  	_ =	shalt  }
0x53: {  	_ =	shalt  }
0x54: {  	_ =	shalt  }
0x55: {  	_ =	shalt  }
0x56: {  	_ =	shalt  }
0x57: {  	_ =	shalt  }
0x58: {  	_ =	shalt  }
0x59: {  	_ =	shalt  }
0x5a: {  	_ =	shalt  }
0x5b: {  	_ =	shalt  }
0x5c: {  	_ =	shalt  }
0x5d: {  	_ =	shalt  }
0x5e: {  	_ =	shalt  }
0x5f: {  	_ =	shalt  }
0x60: {  	_ =	shalt  }
0x61: {  	_ =	shalt  }
0x62: {  	_ =	shalt  }
0x63: {  	_ =	shalt  }
0x64: {  	_ =	shalt  }
0x65: {  	_ =	shalt  }
0x66: {  	_ =	shalt  }
0x67: {  	_ =	shalt  }
0x68: {  	_ =	shalt  }
0x69: {  	_ =	shalt  }
0x6a: {  	_ =	shalt  }
0x6b: {  	_ =	shalt  }
0x6c: {  	_ =	shalt  }
0x6d: {  	_ =	shalt  }
0x6e: {  	_ =	shalt  }
0x6f: {  	_ =	shalt  }
0x70: {  	_ =	shalt  }
0x71: {  	_ =	shalt  }
0x72: {  	_ =	shalt  }
0x73: {  	_ =	shalt  }
0x74: {  	_ =	shalt  }
0x75: {  	_ =	shalt  }
0x76: {  	_ =	shalt  }
0x77: {  	_ =	shalt  }
0x78: {  	_ =	shalt  }
0x79: {  	_ =	shalt  }
0x7a: {  	_ =	shalt  }
0x7b: {  	_ =	shalt  }
0x7c: {  	_ =	shalt  }
0x7d: {  	_ =	shalt  }
0x7e: {  	_ =	shalt  }
0x7f: {  	_ =	shalt  }
0x80: {  	_ =	shalt  }
0x81: {  	_ =	shalt  }
0x82: {  	_ =	shalt  }
0x83: {  	_ =	shalt  }
0x84: {  	_ =	shalt  }
0x85: {  	_ =	shalt  }
0x86: {  	_ =	shalt  }
0x87: {  	_ =	shalt  }
.Lfunc_end0:
.L_simem_size_0:
called_computation_lowered:
.L_overlay_start_0:
0x88: {  	s2 =	sld [smem:$0x3FD9]  }
0x89: {  	s3 =	sld [smem:$0x3FFE];
	_ =	sdelay $0x1  }
0x8a: {  	s1 =	srdreg.scid  }
0x8b: {  	s0 =	sand.u32 $0x1, s1  }
0x8c: {  	s14 =	sshll.u32 s0, $0xA;
	s2 =	sadd.s32 s3, s2  }
0x8d: {  	s2 =	sadd.s32 s2, s14  }
0x8e: {  	[smem:$0x3FC5] =	sst s2  }
0x8f: {  	_ = 	snop  }
0x90: {  	s2 =	sld [smem:$0x3FD0];
	_ =	sdelay $0x2  }
0x91: {  	s4 =	simm.s32 $0xA;
	s5 =	simm.s32 $0x10;
	s15 =	sld [smem:$0x3FC8]  }
0x92: {  	[smem:s5], [sflag:s4] =	dma.local [hbm:s2], $0x1  }
0x93: {  	_ =	swait.eq [sflag:s4], $0x1  }
0x94: {  	[sflag:s4] =	ssyncset.done $0x0  }
0x95: {  	[sflag:s4] =	ssyncadd.s32 $0xFFFFFFFF  }
0x96: {  	s16 =	sld [smem:$0x10];
	(tm) =	ssettm $0x1  }
0x97: {  	s17 =	sld [smem:$0x3FFB];
	_ =	sdelay $0x3  }
0x98: {  	_ =	strace s17  }
0x99: {  	s4 =	sld [smem:$0x3FFC];
	_ =	sdelay $0x3  }
0x9a: {  	_ =	strace s4  }
0x9b: {  	s4 =	sld [smem:$0x3FFD];
	_ =	sdelay $0x3  }
0x9c: {  	_ =	strace s4  }
0x9d: {  	_ =	strace $0x8FFFFFFF  }
0x9e: {  	s18 =	sld [smem:$0x3FDB];
	_ =	sdelay $0x1  }
0x9f: {  	s19 =	simm.s32 $_scs_section_size  }
0xa0: {  	s6 =	simm.s32 $_size__tile_overlayer_lowered;
	s7 =	simm.s32 $_tile_overlayer_lowered  }
0xa1: {  	s22 =	simm.s32 $0x1BFF;
	s21 =	sshll.u32 s7, $0x1;
	s4 =	sadd.s32 s19, s18  }
0xa2: {  	s8 =	simm.s32 $0x0;
	s20 =	sshll.u32 s6, $0x1;
	s6 =	sadd.s32 s21, s4  }
0xa3: {  	[timem:s8], [sflag:s22] =	dma.local [hbm:s6], s20  }
0xa4: {  	_ =	swait.ge [sflag:s22], s20  }
0xa5: {  	s5 =	ssub.s32 $0x0, s20;
	[sflag:s22] =	ssyncset.done $0x0  }
0xa6: {  	[sflag:s22] =	ssyncadd.s32 s5;
	_ =	sdelay $0x1  }
0xa7: {  	s23 =	simm.s32 $0x1B8B  }
0xa8: {  	_ =	swait.ge [sflag:s23], $0x1  }
0xa9: {  	[sflag:s23] =	ssyncset.done $0x0  }
0xaa: {  	s25 =	simm.s32 $0x1B8E;
	s24 =	sld [smem:$0x3FFE];
	[sflag:s23] =	ssyncadd.s32 $0xFFFFFFFF  }
0xab: {  	s26 =	simm.s32 $execute0_lowered;
	[smem:$0x3FD2] =	sst s25  }
0xac: {  	s6 =	sshll.u32 s26, $0x1;
	_ =	strace $0x80000046;
	[dreg:$0x1] =	wrdreg $0xFFFFFFFF  }
0xad: {  	s28 =	simm.s32 $_size_execute0_lowered;
	s4 =	sadd.s32 s4, s6;
	[dreg:$0x0] =	wrdreg $0x0  }
0xae: {  	s6 =	sshll.u32 s28, $0x1;
	[dreg:$0x2] =	wrdreg s4  }
0xaf: {  	[dreg:$0x3] =	wrdreg s6  }
0xb0: {  	[dreg:$0x4] =	wrdreg $0xC0  }
0xb1: {  	_ =	task [dreg:s8], $0x5FFFF  }
0xb2: {  	[dreg:$0x1] =	wrdreg $0xFFFFFFFF  }
0xb3: {  	[dreg:$0x0] =	wrdreg $0x60  }
0xb4: {  	[dreg:$0x2] =	wrdreg s24  }
0xb5: {  	[dreg:$0x3] =	wrdreg s15  }
0xb6: {  	[dreg:$0x4] =	wrdreg s16  }
0xb7: {  	[dreg:$0x5] =	wrdreg $0x9  }
0xb8: {  	_ =	task.clear_ibuf [dreg:s8], $0x6FFFF;
	_ =	strace $0x90000046  }
0xb9: {  	s29 =	simm.s32 $0x9;
	_ =	strace $0x80000048  }
0xba: {  	_ =	swait.ge [sflag:s29], $0x1  }
0xbb: {  	[sflag:s29] =	ssyncadd.s32 $0xFFFFFFFF  }
0xbc: {  	_ =	strace $0x90000048  }
0xbd: {  	_ =	sfence  }
0xbe: {  	s30 =	sld [smem:$0x0];
	_ =	sdelay $0x2  }
0xbf: {  	s31 =	sshll.u32 s1, $0xD;
	s1 =	sshrl.u32 s1, $0x2  }
0xc0: {  	s3 =	sand.u32 $0x4000, s31;
	s1 =	sadd.s32 s1, s30  }
0xc1: {  	s0 =	sor.u32 s3, s0;
	s1 =	sshll.u32 s1, $0x11  }
0xc2: {  	s0 =	sor.u32 s1, s0  }
0xc3: {  	s0 =	sadd.s32 $0x8F2B, s0  }
0xc4: {  	[sflag:s0] =	ssyncadd.remote.s32 $0x1  }
0xc5: {  	_ =	sfence.sel $0xFFFF  }
0xc6: {  	[dreg:$0x0] =	wrdreg $0xFFFFFFFF;
	(pc) =	sbr.abs _section_cstart, $3  }
0xc7: {  	[dreg:$0x1] =	wrdreg $0xFFFFFFFF  }
0xc8: {  	_ =	task.clear_ibuf [dreg:s8], $0x2FFFF;
	_ =	strace $0x9FFFFFFF  }
0xc9: {  	(tm) =	ssettm $0x7FFFFFFF  }
tec
execute0_lowered:
.L_overlay_start_1:
0x0: {  	(tag) =	ssettag $0x1  }
0x1: {  	vm0 =	vcmask $0x300;
	vm1 =	vcmask $0x704;
	vm2 =	vcmask $0xB08  }
0x2: {  	vm3 =	vcmask $0xF0C;
	vm4 =	vcmask $0x1310;
	v0 =	vimm.s32 $0x6420  }
0x3: {  	vm5 =	vcmask $0x1714;
	v1 =	vimm.s32 $0x7531;
	vm6 =	vcmask $0x1B18  }
0x4: {  	v2 =	vimm.s32 $0x86848280;
	v3 =	vimm.s32 $0x87858381;
	vm8 =	vcmask $0xF00  }
0x5: {  	vm7 =	vcmask $0x1F1C;
	v4 =	vimm.s32 $0x586;
	v5 =	vimm.s32 $0x587  }
0x6: {  	v6 =	vimm.s32 $0x786;
	v7 =	vimm.s32 $0x787;
	v0 =	vunpack.c.l.s4.s8 v0  }
0x7: {  	v1 =	vunpack.c.l.s4.s8 v1;
	v2 =	vunpack.c.0.s8.s32 v2;
	v3 =	vunpack.c.0.s8.s32 v3  }
0x8: {  	v4 =	vsel vm0, $0x400, v4;
	v5 =	vsel vm0, $0x401, v5;
	v6 =	vsel vm0, $0x600, v6  }
0x9: {  	v7 =	vsel vm0, $0x601, v7;
	v4 =	vsel vm1, $0x402, v4;
	v5 =	vsel vm1, $0x403, v5  }
0xa: {  	v6 =	vsel vm1, $0x602, v6;
	v7 =	vsel vm1, $0x603, v7;
	v0 =	vunpack.c.0.s8.s32 v0  }
0xb: {  	v1 =	vunpack.c.0.s8.s32 v1;
	v2 =	vand.u32 $0xFF, v2;
	v3 =	vand.u32 $0xFF, v3  }
0xc: {  	v4 =	vsel vm2, $0x404, v4;
	v5 =	vsel vm2, $0x405, v5;
	v6 =	vsel vm2, $0x604, v6  }
0xd: {  	v7 =	vsel vm2, $0x605, v7;
	v4 =	vsel vm3, $0x406, v4;
	v5 =	vsel vm3, $0x407, v5  }
0xe: {  	v6 =	vsel vm3, $0x606, v6;
	v7 =	vsel vm3, $0x607, v7;
	v0 =	vnsel vm8, $0x186, v0  }
0xf: {  	v1 =	vnsel vm8, $0x187, v1;
	vm8 =	vcmask $0x1F10;
	v4 =	vsel vm4, $0x480, v4  }
0x10: {  	v5 =	vsel vm4, $0x481, v5;
	v6 =	vsel vm4, $0x680, v6;
	v7 =	vsel vm4, $0x681, v7  }
0x11: {  	v0 =	vsel vm8, v2, v0;
	v1 =	vsel vm8, v3, v1;
	vm8 =	vcmask $0x2320  }
0x12: {  	v2 =	vimm.s32 $0x386;
	v3 =	vimm.s32 $0x387;
	v4 =	vsel vm5, $0x482, v4  }
0x13: {  	v5 =	vsel vm5, $0x483, v5;
	v6 =	vsel vm5, $0x682, v6;
	v7 =	vsel vm5, $0x683, v7  }
0x14: {  	v0 =	vsel vm8, $0x100, v0;
	v1 =	vsel vm8, $0x101, v1;
	v2 =	vsel vm0, $0x200, v2  }
0x15: {  	v3 =	vsel vm0, $0x201, v3;
	v4 =	vsel vm6, $0x484, v4;
	v5 =	vsel vm6, $0x485, v5  }
0x16: {  	v6 =	vsel vm6, $0x684, v6;
	v7 =	vsel vm6, $0x685, v7;
	v2 =	vsel vm1, $0x202, v2  }
0x17: {  	v3 =	vsel vm1, $0x203, v3;
	v4 =	vsel vm7, $0x486, v4;
	v5 =	vsel vm7, $0x487, v5  }
0x18: {  	v6 =	vsel vm7, $0x686, v6;
	v2 =	vsel vm2, $0x204, v2;
	v3 =	vsel vm2, $0x205, v3  }
0x19: {  	v7 =	vsel vm7, $0x687, v7;
	v2 =	vsel vm3, $0x206, v2;
	v3 =	vsel vm3, $0x207, v3  }
0x1a: {  	v4 =	vsel vm8, $0x500, v4;
	v2 =	vsel vm4, $0x280, v2;
	v3 =	vsel vm4, $0x281, v3  }
0x1b: {  	v5 =	vsel vm8, $0x501, v5;
	v2 =	vsel vm5, $0x282, v2;
	v3 =	vsel vm5, $0x283, v3  }
0x1c: {  	v6 =	vsel vm8, $0x700, v6;
	v2 =	vsel vm6, $0x284, v2;
	v3 =	vsel vm6, $0x285, v3  }
0x1d: {  	v7 =	vsel vm8, $0x701, v7;
	v2 =	vsel vm7, $0x286, v2;
	v3 =	vsel vm7, $0x287, v3  }
0x1e: {  	v2 =	vsel vm8, $0x300, v2;
	v3 =	vsel vm8, $0x301, v3;
	vm8 =	vcmask $0x2724  }
0x1f: {  	s0 =	rddreg [dreg:$0x0];
	v0 =	vsel vm8, $0x102, v0;
	v1 =	vsel vm8, $0x103, v1;
	v2 =	vsel vm8, $0x302, v2  }
0x20: {  	s1 =	rddreg [dreg:$0x1];
	v3 =	vsel vm8, $0x303, v3;
	v4 =	vsel vm8, $0x502, v4;
	v5 =	vsel vm8, $0x503, v5  }
0x21: {  	s3 =	rddreg [dreg:$0x2];
	s2 =	srdreg.scid;
	v6 =	vsel vm8, $0x702, v6;
	v7 =	vsel vm8, $0x703, v7;
	vm8 =	vcmask $0x2B28  }
0x22: {  	s10 =	stileid.u32;
	s11 =	simm.s32 $0x3000;
	s15 =	simm.s32 $0x4;
	v0 =	vsel vm8, $0x104, v0;
	v1 =	vsel vm8, $0x105, v1;
	v2 =	vsel vm8, $0x304, v2  }
0x23: {  	s16 =	simm.s32 $0x1;
	s19 =	simm.s32 $0x5080;
	s20 =	simm.s32 $0x2;
	v3 =	vsel vm8, $0x305, v3;
	v4 =	vsel vm8, $0x504, v4;
	v5 =	vsel vm8, $0x505, v5  }
0x24: {  	s21 =	simm.s32 $0x5880;
	s5 =	sand.u32 $0x1, s2;
	s2 =	simm.s32 $0x0;
	v6 =	vsel vm8, $0x704, v6;
	v7 =	vsel vm8, $0x705, v7;
	vm8 =	vcmask $0x2F2C  }
0x25: {  	s6 =	sshll.u32 s10, $0x6;
	s22 =	sadd.s32 $0xC00, s0;
	s24 =	sadd.s32 $0xCC00, s0;
	v0 =	vsel vm8, $0x106, v0;
	v1 =	vsel vm8, $0x107, v1;
	v2 =	vsel vm8, $0x306, v2  }
0x26: {  	s9 =	sshll.u32 s10, $0x9;
	s29 =	sshll.u32 s10, $0x4;
	s4 =	sshll.u32 s5, $0xA;
	v3 =	vsel vm8, $0x307, v3;
	v4 =	vsel vm8, $0x506, v4;
	v5 =	vsel vm8, $0x507, v5  }
0x27: {  	[smem:$0x7FF] =	sst s2;
	s25 =	ssub.s32 $0x2, s5;
	s26 =	sand.u32 $0x1C00, s9;
	v6 =	vsel vm8, $0x706, v6;
	v7 =	vsel vm8, $0x707, v7;
	vm8 =	vcmask $0x3330  }
0x28: {  	s7 =	sor.u32 s6, s4;
	_ =	strace $0x80000047;
	s6 =	sand.u32 $0x40, s6;
	v0 =	vsel vm8, $0x180, v0;
	v1 =	vsel vm8, $0x181, v1;
	v2 =	vsel vm8, $0x380, v2  }
0x29: {  	[dreg:$0x4] =	wrdreg s22;
	s23 =	sshll.u32 s7, $0x4;
	s1 =	sadd.s32 s1, s6;
	v3 =	vsel vm8, $0x381, v3;
	v4 =	vsel vm8, $0x580, v4;
	v5 =	vsel vm8, $0x581, v5  }
0x2a: {  	[dreg:$0x5] =	wrdreg s24;
	s8 =	sadd.s32 s23, s0;
	s1 =	sadd.s32 s26, s1;
	v6 =	vsel vm8, $0x780, v6;
	v7 =	vsel vm8, $0x781, v7;
	vm8 =	vcmask $0x3734  }
0x2b: {  	s5 =	sshrl.u32 s25, $0x1;
	s28 =	sadd.s32 $0x4C00, s8;
	[dreg:$0x7] =	wrdreg s1;
	v0 =	vsel vm8, $0x182, v0;
	v1 =	vsel vm8, $0x183, v1;
	v2 =	vsel vm8, $0x382, v2  }
0x2c: {  	s22 =	simm.s32 $0x5900;
	s1 =	sadd.s32 s24, s29;
	[dreg:$0x6] =	wrdreg s28;
	v3 =	vsel vm8, $0x383, v3;
	v4 =	vsel vm8, $0x582, v4;
	v5 =	vsel vm8, $0x583, v5  }
0x2d: {  	s0 =	ssub.s32 s25, s5;
	s30 =	sadd.s32 $0xCE00, s8;
	[dreg:$0x8] =	wrdreg s1;
	v6 =	vsel vm8, $0x782, v6;
	v7 =	vsel vm8, $0x783, v7;
	vm8 =	vcmask $0x3B38  }
0x2e: {  	v8 =	vlaneseq.u32;
	s31 =	sshrl.u32 s7, $0x3;
	s0 =	smax.u32 s0, $0x1;
	[dreg:$0x9] =	wrdreg s30;
	v0 =	vsel vm8, $0x184, v0;
	v1 =	vsel vm8, $0x185, v1  }
0x2f: {  	s23 =	simm.s32 $0x5980;
	s1 =	sadd.s32 s3, s31;
	[dreg:$0xb] =	wrdreg s0;
	v2 =	vsel vm8, $0x384, v2;
	v3 =	vsel vm8, $0x385, v3;
	v4 =	vsel vm8, $0x584, v4  }
0x30: {  	s26 =	simm.s32 $0x0;
	s24 =	simm.s32 $0x6980;
	[dreg:$0xa] =	wrdreg s1;
	v5 =	vsel vm8, $0x585, v5;
	v6 =	vsel vm8, $0x784, v6;
	v7 =	vsel vm8, $0x785, v7  }
.LBB2_1:
0x31: {  	s0 =	rddreg [dreg:$0x6]  }
0x32: {  	s7 =	rddreg [dreg:$0x4]  }
0x33: {  	[tilespmem:s2], [sflag:$0x1] =	stream.linear.gather [hbm4b:s0+s2], $0x2000, $0x38;
	[tilespmem:$0x8A00] =	vst v63  }
0x34: {  	s8 =	rddreg [dreg:$0x7]  }
0x35: {  	[tilespmem:s11], [sflag:$0x2] =	stream.linear.gather [hbm4b:s7+s2], $0x2000, $0x38;
	[tilespmem:$0x8A00] =	vst v63  }
0x36: {  	s1 =	simm.s32 $0x200;
	s3 =	simm.s32 $0x400;
	s4 =	simm.s32 $0x2000  }
0x37: {  	[tilespmem:s4], [sflag:$0x4] =	stream.strided.gather [hbm4b:s8+s1], $0x1000, s3, s1, $0x38;
	[tilespmem:$0x8A00] =	vst v63  }
0x38: {  	_ =	swait.ge [sflag:s15], $0x1000  }
0x39: {  	s9 =	sand.u32 $0x40, s2;
	s10 =	sand.u32 $0xE00, s2;
	[sflag:s15] =	ssyncset.done $0x0  }
0x3a: {  	s0 =	sor.u32 s9, s10;
	[sflag:s15] =	ssyncadd.s32 $0xFFFFF000  }
0x3b: {  	v9 =	vld [tilespmem:s0+$0x2000]  }
0x3c: {  	v10 =	vld [tilespmem:s0+$0x2080];
	_ =	sdelay $0x3  }
0x3d: {  	v11 =	vmul.f32 v9, v9  }
0x3e: {  	v17 =	vimm.f32 $0.0e+00;
	v12 =	vmul.f32 v10, v10  }
0x3f: {  	v9 =	vsub.f32 v9, v17;
	v11 =	vsub.f32 v11, v17  }
0x40: {  	v13 =	vld [tilespmem:s0+$0x2010];
	v10 =	vsub.f32 v10, v17;
	v12 =	vsub.f32 v12, v17  }
0x41: {  	v16 =	vld [tilespmem:s0+$0x2090];
	v14 =	vadd.f32 v9, v17;
	v15 =	vadd.f32 v11, v17  }
0x42: {  	v18 =	vadd.f32 v10, v17;
	v19 =	vadd.f32 v12, v17  }
0x43: {  	v20 =	vsub.f32 v14, v17;
	v21 =	vsub.f32 v17, v15  }
0x44: {  	v22 =	vsub.f32 v18, v17;
	v23 =	vsub.f32 v17, v19  }
0x45: {  	v9 =	vsub.f32 v20, v9;
	v20 =	vmul.f32 v13, v13;
	v11 =	vadd.f32 v21, v11  }
0x46: {  	v10 =	vsub.f32 v22, v10;
	v21 =	vmul.f32 v16, v16;
	v12 =	vadd.f32 v23, v12  }
0x47: {  	v9 =	vsub.f32 v13, v9;
	v11 =	vadd.f32 v11, v20  }
0x48: {  	v10 =	vsub.f32 v16, v10;
	v13 =	vld [tilespmem:s0+$0x2020];
	v12 =	vadd.f32 v12, v21  }
0x49: {  	v16 =	vadd.f32 v9, v14;
	v21 =	vld [tilespmem:s0+$0x20A0];
	v20 =	vadd.f32 v11, v15  }
0x4a: {  	v22 =	vadd.f32 v10, v18;
	v23 =	vadd.f32 v12, v19  }
0x4b: {  	v14 =	vsub.f32 v16, v14;
	v15 =	vsub.f32 v15, v20  }
0x4c: {  	v18 =	vsub.f32 v22, v18;
	v19 =	vsub.f32 v19, v23  }
0x4d: {  	v9 =	vsub.f32 v14, v9;
	v14 =	vmul.f32 v13, v13;
	v11 =	vadd.f32 v15, v11  }
0x4e: {  	v10 =	vsub.f32 v18, v10;
	v15 =	vmul.f32 v21, v21;
	v12 =	vadd.f32 v19, v12  }
0x4f: {  	v9 =	vsub.f32 v13, v9;
	v11 =	vadd.f32 v11, v14  }
0x50: {  	v10 =	vsub.f32 v21, v10;
	v13 =	vld [tilespmem:s0+$0x2030];
	v12 =	vadd.f32 v12, v15  }
0x51: {  	v18 =	vld [tilespmem:s0+$0x20B0];
	v14 =	vadd.f32 v9, v16;
	v15 =	vadd.f32 v11, v20  }
0x52: {  	v19 =	vadd.f32 v10, v22;
	v21 =	vadd.f32 v12, v23  }
0x53: {  	p0 =	por $0x0, $0x0;
	s0 =	simm.s32 $0x1;
	v16 =	vsub.f32 v14, v16;
	v20 =	vsub.f32 v20, v15  }
0x54: {  	s0 =	simm.s32 @!p0 $0x0;
	v22 =	vsub.f32 v19, v22;
	v23 =	vsub.f32 v23, v21  }
0x55: {  	s0 =	sshll.u32 s0, $0x6;
	v9 =	vsub.f32 v16, v9;
	v16 =	vmul.f32 v13, v13;
	v11 =	vadd.f32 v20, v11  }
0x56: {  	s0 =	sadd.s32 $0x0, s0;
	v10 =	vsub.f32 v22, v10;
	v20 =	vmul.f32 v18, v18;
	v12 =	vadd.f32 v23, v12  }
0x57: {  	s12 =	sor.u32 $0x100, s0;
	v13 =	vsub.f32 v13, v9;
	v16 =	vadd.f32 v11, v16  }
0x58: {  	s13 =	sor.u32 $0x180, s0;
	v22 =	vld [tilespmem:s12+$0x2000];
	v18 =	vsub.f32 v18, v10;
	v20 =	vadd.f32 v12, v20  }
0x59: {  	v23 =	vld [tilespmem:s13+$0x2000];
	v12 =	vadd.f32 v13, v14;
	v11 =	vadd.f32 v16, v15  }
0x5a: {  	v10 =	vadd.f32 v18, v19;
	v9 =	vadd.f32 v20, v21  }
0x5b: {  	v14 =	vsub.f32 v12, v14;
	v15 =	vsub.f32 v11, v15  }
0x5c: {  	v19 =	vsub.f32 v10, v19;
	v21 =	vsub.f32 v9, v21  }
0x5d: {  	v24 =	vmul.f32 v22, v22;
	v13 =	vsub.f32 v14, v13;
	v14 =	vsub.f32 v15, v16  }
0x5e: {  	s14 =	sadd.s32 $0x10, s0;
	v25 =	vmul.f32 v23, v23;
	v15 =	vsub.f32 v19, v18;
	v16 =	vsub.f32 v21, v20  }
0x5f: {  	s17 =	sor.u32 $0x100, s14;
	v18 =	vsub.f32 v22, v17;
	v19 =	vsub.f32 v24, v17  }
0x60: {  	s1 =	sor.u32 $0x180, s14;
	v20 =	vsub.f32 v23, v17;
	v21 =	vsub.f32 v25, v17;
	v22 =	vld [tilespmem:s17+$0x2000]  }
0x61: {  	v25 =	vld [tilespmem:s1+$0x2000];
	v23 =	vadd.f32 v18, v17;
	v24 =	vadd.f32 v19, v17  }
0x62: {  	v26 =	vadd.f32 v20, v17;
	v27 =	vadd.f32 v21, v17  }
0x63: {  	v28 =	vsub.f32 v23, v17;
	v29 =	vsub.f32 v17, v24  }
0x64: {  	v30 =	vsub.f32 v26, v17;
	v17 =	vsub.f32 v17, v27  }
0x65: {  	v18 =	vsub.f32 v28, v18;
	v28 =	vmul.f32 v22, v22;
	v19 =	vadd.f32 v29, v19  }
0x66: {  	s18 =	sadd.s32 $0x20, s0;
	v20 =	vsub.f32 v30, v20;
	v29 =	vmul.f32 v25, v25;
	v17 =	vadd.f32 v17, v21  }
0x67: {  	s25 =	sor.u32 $0x100, s18;
	v18 =	vsub.f32 v22, v18;
	v19 =	vadd.f32 v19, v28  }
0x68: {  	s1 =	sor.u32 $0x180, s18;
	v21 =	vld [tilespmem:s25+$0x2000];
	v20 =	vsub.f32 v25, v20;
	v17 =	vadd.f32 v17, v29  }
0x69: {  	v22 =	vld [tilespmem:s1+$0x2000];
	v25 =	vadd.f32 v18, v23;
	v28 =	vadd.f32 v19, v24  }
0x6a: {  	v29 =	vadd.f32 v20, v26;
	v30 =	vadd.f32 v17, v27  }
0x6b: {  	v23 =	vsub.f32 v25, v23;
	v24 =	vsub.f32 v24, v28  }
0x6c: {  	v26 =	vsub.f32 v29, v26;
	v27 =	vsub.f32 v27, v30  }
0x6d: {  	v18 =	vsub.f32 v23, v18;
	v23 =	vmul.f32 v21, v21;
	v19 =	vadd.f32 v24, v19  }
0x6e: {  	s0 =	sadd.s32 $0x30, s0;
	v20 =	vsub.f32 v26, v20;
	v24 =	vmul.f32 v22, v22;
	v17 =	vadd.f32 v27, v17  }
0x6f: {  	s30 =	sor.u32 $0x100, s0;
	v27 =	vsub.f32 v21, v18;
	v31 =	vadd.f32 v19, v23  }
0x70: {  	s31 =	sor.u32 $0x180, s0;
	v18 =	vsub.f32 v22, v20;
	v17 =	vadd.f32 v17, v24;
	v19 =	vld [tilespmem:s30+$0x2000]  }
0x71: {  	v20 =	vld [tilespmem:s31+$0x2000];
	v24 =	vadd.f32 v27, v25;
	v23 =	vadd.f32 v31, v28  }
0x72: {  	v22 =	vadd.f32 v18, v29;
	v21 =	vadd.f32 v17, v30  }
0x73: {  	v32 =	vsub.f32 v24, v25;
	v33 =	vsub.f32 v28, v23  }
0x74: {  	v26 =	vsub.f32 v22, v29;
	v25 =	vsub.f32 v30, v21  }
0x75: {  	s28 =	simm.s32 $0x100;
	s29 =	simm.s32 $0x40;
	s0 =	simm.s32 $0x0;
	v28 =	vsub.f32 v32, v27;
	v27 =	vmul.f32 v19, v19;
	v29 =	vadd.f32 v33, v31  }
.LBB2_2:
0x76: {  	s1 =	sand.u32 $0x40, s29;
	s3 =	sand.u32 $0xE00, s28;
	v18 =	vsub.f32 v26, v18;
	v26 =	vmul.f32 v20, v20;
	v17 =	vadd.f32 v25, v17  }
0x77: {  	s1 =	sor.u32 s1, s3;
	v25 =	vsub.f32 v19, v28;
	v27 =	vadd.f32 v29, v27  }
0x78: {  	v28 =	vld [tilespmem:s1+$0x2000];
	v29 =	vsub.f32 v20, v18;
	v26 =	vadd.f32 v17, v26  }
0x79: {  	v30 =	vld [tilespmem:s1+$0x2080];
	v17 =	vadd.f32 v25, v24;
	v18 =	vadd.f32 v27, v23  }
0x7a: {  	v19 =	vadd.f32 v29, v22;
	v20 =	vadd.f32 v26, v21  }
0x7b: {  	v24 =	vsub.f32 v17, v24;
	v23 =	vsub.f32 v18, v23  }
0x7c: {  	v31 =	vsub.f32 v19, v22;
	v32 =	vsub.f32 v20, v21  }
0x7d: {  	v33 =	vmul.f32 v28, v28;
	v21 =	vsub.f32 v24, v25;
	v22 =	vsub.f32 v23, v27  }
0x7e: {  	v25 =	vmul.f32 v30, v30;
	v23 =	vsub.f32 v31, v29;
	v24 =	vsub.f32 v32, v26  }
0x7f: {  	v13 =	vsub.f32 v28, v13;
	v14 =	vsub.f32 v33, v14  }
0x80: {  	v15 =	vsub.f32 v30, v15;
	v16 =	vsub.f32 v25, v16;
	v25 =	vld [tilespmem:s1+$0x2010]  }
0x81: {  	v26 =	vadd.f32 v13, v12;
	v27 =	vadd.f32 v14, v11;
	v28 =	vld [tilespmem:s1+$0x2090]  }
0x82: {  	v29 =	vadd.f32 v15, v10;
	v30 =	vadd.f32 v16, v9  }
0x83: {  	v12 =	vsub.f32 v26, v12;
	v11 =	vsub.f32 v11, v27  }
0x84: {  	v10 =	vsub.f32 v29, v10;
	v9 =	vsub.f32 v9, v30  }
0x85: {  	v12 =	vsub.f32 v12, v13;
	v13 =	vmul.f32 v25, v25;
	v11 =	vadd.f32 v11, v14  }
0x86: {  	v10 =	vsub.f32 v10, v15;
	v14 =	vmul.f32 v28, v28;
	v9 =	vadd.f32 v9, v16  }
0x87: {  	v12 =	vsub.f32 v25, v12;
	v11 =	vadd.f32 v11, v13  }
0x88: {  	v10 =	vsub.f32 v28, v10;
	v9 =	vadd.f32 v9, v14;
	v13 =	vld [tilespmem:s1+$0x2020]  }
0x89: {  	v14 =	vadd.f32 v12, v26;
	v15 =	vadd.f32 v11, v27;
	v16 =	vld [tilespmem:s1+$0x20A0]  }
0x8a: {  	v25 =	vadd.f32 v10, v29;
	v28 =	vadd.f32 v9, v30  }
0x8b: {  	v26 =	vsub.f32 v14, v26;
	v27 =	vsub.f32 v27, v15  }
0x8c: {  	v29 =	vsub.f32 v25, v29;
	v30 =	vsub.f32 v30, v28  }
0x8d: {  	v12 =	vsub.f32 v26, v12;
	v26 =	vmul.f32 v13, v13;
	v11 =	vadd.f32 v27, v11  }
0x8e: {  	v10 =	vsub.f32 v29, v10;
	v27 =	vmul.f32 v16, v16;
	v9 =	vadd.f32 v30, v9  }
0x8f: {  	v12 =	vsub.f32 v13, v12;
	v11 =	vadd.f32 v11, v26  }
0x90: {  	v10 =	vsub.f32 v16, v10;
	v9 =	vadd.f32 v9, v27;
	v13 =	vld [tilespmem:s1+$0x2030]  }
0x91: {  	v16 =	vadd.f32 v12, v14;
	v26 =	vadd.f32 v11, v15;
	v27 =	vld [tilespmem:s1+$0x20B0]  }
0x92: {  	v29 =	vadd.f32 v10, v25;
	v30 =	vadd.f32 v9, v28  }
0x93: {  	p0 =	por !p0, !p0;
	s1 =	simm.s32 $0x1;
	v14 =	vsub.f32 v16, v14;
	v15 =	vsub.f32 v15, v26  }
0x94: {  	s1 =	simm.s32 @!p0 $0x0;
	v25 =	vsub.f32 v29, v25;
	v28 =	vsub.f32 v28, v30  }
0x95: {  	s0 =	sadd.s32 $0x4, s0;
	s1 =	sshll.u32 s1, $0x6;
	v12 =	vsub.f32 v14, v12;
	v14 =	vmul.f32 v13, v13;
	v11 =	vadd.f32 v15, v11  }
0x96: {  	p1 =	slt.u32 s0, $0x3C;
	s1 =	sadd.s32 s1, s28;
	v10 =	vsub.f32 v25, v10;
	v15 =	vmul.f32 v27, v27;
	v9 =	vadd.f32 v28, v9  }
0x97: {  	s3 =	sor.u32 $0x100, s1;
	v13 =	vsub.f32 v13, v12;
	v14 =	vadd.f32 v11, v14  }
0x98: {  	v27 =	vsub.f32 v27, v10;
	v25 =	vld [tilespmem:s3+$0x2000];
	s3 =	sor.u32 $0x180, s1;
	v28 =	vadd.f32 v9, v15  }
0x99: {  	v12 =	vadd.f32 v13, v16;
	v31 =	vld [tilespmem:s3+$0x2000];
	v11 =	vadd.f32 v14, v26  }
0x9a: {  	v10 =	vadd.f32 v27, v29;
	v9 =	vadd.f32 v28, v30  }
0x9b: {  	v15 =	vsub.f32 v12, v16;
	v16 =	vsub.f32 v11, v26  }
0x9c: {  	v26 =	vsub.f32 v10, v29;
	v29 =	vsub.f32 v9, v30  }
0x9d: {  	v13 =	vsub.f32 v15, v13;
	v30 =	vmul.f32 v25, v25;
	v14 =	vsub.f32 v16, v14  }
0x9e: {  	s3 =	sadd.s32 $0x10, s1;
	v15 =	vsub.f32 v26, v27;
	v32 =	vmul.f32 v31, v31;
	v16 =	vsub.f32 v29, v28  }
0x9f: {  	s5 =	sor.u32 $0x100, s3;
	v21 =	vsub.f32 v25, v21;
	v22 =	vsub.f32 v30, v22  }
0xa0: {  	s3 =	sor.u32 $0x180, s3;
	v23 =	vsub.f32 v31, v23;
	v24 =	vsub.f32 v32, v24;
	v25 =	vld [tilespmem:s5+$0x2000]  }
0xa1: {  	v26 =	vadd.f32 v21, v17;
	v27 =	vadd.f32 v22, v18;
	v28 =	vld [tilespmem:s3+$0x2000]  }
0xa2: {  	v29 =	vadd.f32 v23, v19;
	v30 =	vadd.f32 v24, v20  }
0xa3: {  	v17 =	vsub.f32 v26, v17;
	v18 =	vsub.f32 v18, v27  }
0xa4: {  	v19 =	vsub.f32 v29, v19;
	v20 =	vsub.f32 v20, v30  }
0xa5: {  	v17 =	vsub.f32 v17, v21;
	v21 =	vmul.f32 v25, v25;
	v18 =	vadd.f32 v18, v22  }
0xa6: {  	s3 =	sadd.s32 $0x20, s1;
	v19 =	vsub.f32 v19, v23;
	v22 =	vmul.f32 v28, v28;
	v20 =	vadd.f32 v20, v24  }
0xa7: {  	s5 =	sor.u32 $0x100, s3;
	v17 =	vsub.f32 v25, v17;
	v18 =	vadd.f32 v18, v21  }
0xa8: {  	s3 =	sor.u32 $0x180, s3;
	v19 =	vsub.f32 v28, v19;
	v20 =	vadd.f32 v20, v22;
	v21 =	vld [tilespmem:s5+$0x2000]  }
0xa9: {  	v25 =	vadd.f32 v17, v26;
	v28 =	vadd.f32 v18, v27;
	v22 =	vld [tilespmem:s3+$0x2000]  }
0xaa: {  	v31 =	vadd.f32 v19, v29;
	v32 =	vadd.f32 v20, v30  }
0xab: {  	v23 =	vsub.f32 v25, v26;
	v24 =	vsub.f32 v27, v28  }
0xac: {  	v26 =	vsub.f32 v31, v29;
	v27 =	vsub.f32 v30, v32  }
0xad: {  	v17 =	vsub.f32 v23, v17;
	v23 =	vmul.f32 v21, v21;
	v18 =	vadd.f32 v24, v18  }
0xae: {  	s1 =	sadd.s32 $0x30, s1;
	v19 =	vsub.f32 v26, v19;
	v24 =	vmul.f32 v22, v22;
	v20 =	vadd.f32 v27, v20  }
0xaf: {  	s3 =	sor.u32 $0x100, s1;
	v27 =	vsub.f32 v21, v17;
	v29 =	vadd.f32 v18, v23  }
0xb0: {  	s1 =	sor.u32 $0x180, s1;
	v18 =	vsub.f32 v22, v19;
	v17 =	vadd.f32 v20, v24;
	v19 =	vld [tilespmem:s3+$0x2000]  }
.Ltmp0:
0xb1: {  	v24 =	vadd.f32 v27, v25;
	v23 =	vadd.f32 v29, v28;
	v20 =	vld [tilespmem:s1+$0x2000];
	(pc) =	sbr.rel @p1 .LBB2_2-.Ltmp0, $4  }
0xb2: {  	v22 =	vadd.f32 v18, v31;
	v21 =	vadd.f32 v17, v32  }
0xb3: {  	v30 =	vsub.f32 v24, v25;
	v33 =	vsub.f32 v28, v23  }
0xb4: {  	v26 =	vsub.f32 v22, v31;
	v25 =	vsub.f32 v32, v21  }
0xb5: {  	s29 =	sadd.s32 $0x40, s29;
	s28 =	sadd.s32 $0x100, s28;
	v28 =	vsub.f32 v30, v27;
	v27 =	vmul.f32 v19, v19;
	v29 =	vadd.f32 v33, v29  }
0xb6: {  	_ = 	snop  }
0xb7: {  	(xrf2) =	vadd.scan.msk.f32 $0xffff, v12;
	v13 =	vsub.f32 v19, v28  }
0xb8: {  	v12 =	vsub.f32 v26, v18;
	(xrf2) =	vadd.scan.msk.f32 $0xffff, v11  }
0xb9: {  	v14 =	vadd.f32 v29, v27;
	(xrf2) =	vadd.scan.msk.f32 $0xffff, v10;
	v11 =	vadd.f32 v13, v24  }
0xba: {  	v10 =	vsub.f32 v20, v12;
	(xrf2) =	vadd.scan.msk.f32 $0xffff, v9  }
0xbb: {  	v12 =	vadd.f32 v14, v23;
	v9 =	vmul.f32 v20, v20;
	(xrf2) =	vadd.scan.msk.f32 $0xffff, v11;
	v11 =	vadd.f32 v25, v17  }
0xbc: {  	v10 =	vadd.f32 v10, v22  }
0xbd: {  	(xrf2) =	vadd.scan.msk.f32 $0xffff, v12;
	v9 =	vadd.f32 v11, v9  }
0xbe: {  	(xrf2) =	vadd.scan.msk.f32 $0xffff, v10  }
0xbf: {  	v9 =	vadd.f32 v9, v21;
	_ =	sdelay $0x1  }
0xc0: {  	v10, _, _ =	vpop (xrf2)  }
0xc1: {  	(v2sf) =	vpush v10, $0xF;
	v10, _, _ =	vpop (xrf2);
	(xrf2) =	vadd.scan.msk.f32 $0xffff, v9  }
0xc2: {  	(v2sf) =	vpush v10, $0xF;
	v9, _, _ =	vpop (xrf2)  }
0xc3: {  	v10, _, _ =	vpop (xrf2);
	(v2sf) =	vpush v9, $0xF  }
0xc4: {  	v9, _, _ =	vpop (xrf2);
	(v2sf) =	vpush v10, $0xF  }
0xc5: {  	(v2sf) =	vpush v9, $0xF  }
0xc6: {  	v10, _, _ =	vpop (xrf2)  }
0xc7: {  	(v2sf) =	vpush v10, $0xF;
	v9, _, _ =	vpop (xrf2)  }
0xc8: {  	(v2sf) =	vpush v9, $0xF;
	_ =	sdelay $0x2  }
0xc9: {  	v9, _, _ =	vpop (xrf2)  }
0xca: {  	(v2sf) =	vpush v9, $0xF;
	_ =	sdelay $0x3  }
0xcb: {  	s0 =	spop (v2sf)  }
0xcc: {  	s1 =	spop (v2sf);
	s3 =	smul.f32 $9.765625000e-04, s0  }
0xcd: {  	s5 =	spop (v2sf)  }
0xce: {  	s0 =	smul.f32 s3, s0;
	s6 =	spop (v2sf)  }
0xcf: {  	s8 =	smul.f32 $9.765625000e-04, s5;
	s7 =	spop (v2sf)  }
0xd0: {  	s0 =	ssub.f32 s1, s0;
	s12 =	smul.f32 $9.765625000e-04, s7  }
0xd1: {  	v9 =	vmov s3;
	s9 =	spop (v2sf);
	s13 =	smul.f32 s8, s5  }
0xd2: {  	v9 =	vnsel vm0, $0x0, v9;
	s14 =	spop (v2sf);
	s17 =	smul.f32 s12, s7  }
0xd3: {  	v9 =	vsel vm1, s0, v9;
	s1 =	ssub.f32 s6, s13;
	s18 =	smul.f32 $9.765625000e-04, s14  }
0xd4: {  	v9 =	vsel vm2, s8, v9  }
0xd5: {  	s25 =	ssub.f32 s9, s17;
	s3 =	smul.f32 s18, s14;
	v9 =	vsel vm3, s1, v9  }
0xd6: {  	s4 =	spop (v2sf);
	v9 =	vsel vm4, s12, v9  }
0xd7: {  	s1 =	ssub.f32 s4, s3;
	v9 =	vsel vm5, s25, v9  }
0xd8: {  	v9 =	vsel vm6, s18, v9  }
0xd9: {  	s6 =	simm.s32 $0xFFFFFFFF;
	v9 =	vsel vm7, s1, v9  }
0xda: {  	[tilespmem:$0x5000] =	vst v9;
	v9 =	vadd.s32 s6, v8  }
0xdb: {  	s5 =	simm.s32 $0x0;
	s3 =	simm.s32 $0x80;
	v9 =	vand.u32 $0x3F, v9  }
0xdc: {  	s7 =	rddreg [dreg:$0x8];
	s8 =	simm.s32 $0x0;
	s4 =	simm.s32 $0x5000;
	v9 =	vor.u32 s3, v9  }
0xdd: {  	v10 =	vadd.s32 s8, v8;
	[hbm4b:s7+s5] =	stream.linear.scatter [tilespmem:s4], [sflag:$0x3], $0x80, $0x38;
	[tilespmem:$0x8A00] =	vst v63  }
0xde: {  	s10 =	simm.s32 $0x0;
	v10 =	vand.u32 $0x3F, v10;
	s17 =	simm.s32 $0xFFFFFFFD;
	_ =	swait.ge [sflag:s16], $0x2000  }
0xdf: {  	s13 =	simm.s32 $0xF;
	v10 =	vor.u32 s10, v10;
	v15 =	vadd.s32 s17, v8;
	s18 =	simm.s32 $0xFFFFFFFE;
	[sflag:s16] =	ssyncset.done $0x0  }
0xe0: {  	v13 =	vadd.s32 s13, v8;
	v15 =	vand.u32 $0x3F, v15;
	s1 =	simm.s32 $0x180;
	v16 =	vadd.s32 s18, v8;
	[sflag:s16] =	ssyncadd.s32 $0xFFFFE000  }
0xe1: {  	s9 =	simm.s32 $0x10;
	s14 =	simm.s32 $0x30;
	v13 =	vand.u32 $0x3F, v13;
	v15 =	vor.u32 s1, v15;
	v16 =	vand.u32 $0x3F, v16;
	s4 =	simm.s32 $0x100;
	v9 =	vld.idx.msk [tilespmem:v9+s2+$0x0], $0xffff  }
0xe2: {  	v11 =	vadd.s32 s9, v8;
	s12 =	simm.s32 $0x20;
	v14 =	vadd.s32 s14, v8;
	v16 =	vor.u32 s4, v16  }
0xe3: {  	s9 =	simm.s32 $0x1E;
	s17 =	simm.s32 $0xC;
	v11 =	vand.u32 $0x3F, v11;
	v12 =	vadd.s32 s12, v8;
	v13 =	vor.u32 s3, v13  }
0xe4: {  	v14 =	vand.u32 $0x3F, v14;
	s25 =	simm.s32 $0xE;
	v18 =	vadd.s32 s9, v8;
	v22 =	vadd.s32 s17, v8;
	v10 =	vld.idx.msk [tilespmem:v10+s2+$0x0], $0xffff  }
0xe5: {  	s0 =	simm.s32 $0x59A0;
	s8 =	simm.s32 $0x1F;
	s12 =	simm.s32 $0xD;
	v11 =	vor.u32 s10, v11;
	v17 =	vadd.s32 s25, v8;
	v14 =	vor.u32 s10, v14  }
0xe6: {  	v12 =	vand.u32 $0x3F, v12;
	v20 =	vadd.s32 s12, v8;
	v15 =	vld.idx.msk [tilespmem:v15+s2+$0x0], $0xffff;
	[tilespmem:s0+$0x20] =	vst v9;
	v9 =	vadd.s32 s8, v8  }
0xe7: {  	v12 =	vor.u32 s10, v12;
	v17 =	vand.u32 $0x3F, v17;
	s10 =	simm.s32 $0x2E;
	v16 =	vld.idx.msk [tilespmem:v16+s2+$0x0], $0xffff;
	v9 =	vand.u32 $0x3F, v9  }
0xe8: {  	s13 =	simm.s32 $0xFFFFFFFB;
	v19 =	vadd.s32 s10, v8;
	v17 =	vor.u32 s4, v17;
	v13 =	vld.idx.msk [tilespmem:v13+s2+$0x0], $0xffff;
	v21 =	vor.u32 s3, v9  }
0xe9: {  	[tilespmem:s0+$0xFFFFFFE0] =	vst v10;
	v9 =	vand.u32 $0x3F, v19;
	v19 =	vand.u32 $0x3F, v20;
	v20 =	vadd.s32 s13, v8  }
0xea: {  	s28 =	simm.s32 $0x5A20;
	s9 =	simm.s32 $0x1C;
	v18 =	vand.u32 $0x3F, v18;
	s12 =	simm.s32 $0x280;
	v11 =	vld.idx.msk [tilespmem:v11+s2+$0x0], $0xffff;
	v10 =	vor.u32 s1, v19;
	v19 =	vand.u32 $0x3F, v20  }
0xeb: {  	s14 =	simm.s32 $0xFFFFFFFC;
	v22 =	vand.u32 $0x3F, v22;
	v23 =	vadd.s32 s9, v8;
	s5 =	simm.s32 $0x40;
	[tilespmem:s28+$0x20] =	vst v15;
	v19 =	vor.u32 s12, v19  }
0xec: {  	v23 =	vand.u32 $0x3F, v23;
	v18 =	vor.u32 s4, v18;
	s18 =	sor.u32 $0x50, s5;
	s8 =	simm.s32 $0x1D;
	[tilespmem:s28+$0xFFFFFFE0] =	vst v16;
	v20 =	vadd.s32 s14, v8  }
0xed: {  	s25 =	simm.s32 $0x2F;
	v15 =	vadd.s32 s8, v8;
	v17 =	vld.idx.msk [tilespmem:v17+s2+$0x0], $0xffff;
	v9 =	vor.u32 s4, v9;
	s4 =	simm.s32 $0x200;
	[tilespmem:s18+$0x5980] =	vst v13;
	v13 =	vand.u32 $0x3F, v20  }
0xee: {  	s13 =	simm.s32 $0xB;
	v15 =	vand.u32 $0x3F, v15;
	v20 =	vadd.s32 s25, v8;
	v21 =	vld.idx.msk [tilespmem:v21+s2+$0x0], $0xffff;
	v13 =	vor.u32 s4, v13  }
0xef: {  	v25 =	vadd.s32 s13, v8;
	v15 =	vor.u32 s1, v15;
	[tilespmem:s0+$0xFFFFFFF0] =	vst v11;
	s18 =	simm.s32 $0xFFFFFFFA;
	v20 =	vand.u32 $0x3F, v20;
	v24 =	vld.idx.msk [tilespmem:v10+s2+$0x0], $0xffff  }
0xf0: {  	s10 =	simm.s32 $0x2C;
	s14 =	simm.s32 $0xFFFFFFF9;
	v11 =	vor.u32 s4, v23;
	v23 =	vadd.s32 s18, v8;
	v20 =	vor.u32 s3, v20;
	v16 =	vld.idx.msk [tilespmem:v19+s2+$0x0], $0xffff  }
0xf1: {  	v10 =	vadd.s32 s10, v8;
	v19 =	vand.u32 $0x3F, v25;
	v25 =	vadd.s32 s14, v8  }
0xf2: {  	s30 =	simm.s32 $0x380;
	s17 =	sor.u32 $0x60, s5;
	[tilespmem:s28+$0xFFFFFFF0] =	vst v17;
	s3 =	simm.s32 $0xC0;
	v10 =	vand.u32 $0x3F, v10;
	v19 =	vor.u32 s12, v19;
	v25 =	vand.u32 $0x3F, v25  }
0xf3: {  	s9 =	simm.s32 $0x2D;
	v22 =	vor.u32 s4, v22;
	s25 =	simm.s32 $0xA;
	v10 =	vor.u32 s4, v10;
	s4 =	sor.u32 $0x50, s3;
	v13 =	vld.idx.msk [tilespmem:v13+s2+$0x0], $0xffff;
	[tilespmem:s17+$0x5980] =	vst v21;
	v21 =	vor.u32 s30, v25  }
0xf4: {  	s29 =	simm.s32 $0x5AA0;
	s10 =	simm.s32 $0x300;
	v25 =	vadd.s32 s25, v8;
	[tilespmem:s4+$0x5980] =	vst v24;
	v24 =	vld.idx.msk [tilespmem:v12+s2+$0x0], $0xffff;
	v12 =	vand.u32 $0x3F, v23;
	v23 =	vadd.s32 s9, v8  }
0xf5: {  	s17 =	simm.s32 $0x2A;
	s25 =	simm.s32 $0xFFFFFFF7;
	v25 =	vand.u32 $0x3F, v25;
	v15 =	vld.idx.msk [tilespmem:v15+s2+$0x0], $0xffff;
	v12 =	vor.u32 s10, v12;
	[tilespmem:s29+$0x20] =	vst v16;
	v16 =	vand.u32 $0x3F, v23  }
0xf6: {  	s13 =	simm.s32 $0x1B;
	s14 =	simm.s32 $0x1A;
	v20 =	vld.idx.msk [tilespmem:v20+s2+$0x0], $0xffff;
	v26 =	vadd.s32 s17, v8;
	v17 =	vadd.s32 s25, v8;
	v16 =	vor.u32 s1, v16  }
0xf7: {  	s18 =	simm.s32 $0x9;
	v27 =	vor.u32 s10, v25;
	v23 =	vadd.s32 s13, v8;
	v25 =	vadd.s32 s14, v8;
	v19 =	vld.idx.msk [tilespmem:v19+s2+$0x0], $0xffff  }
0xf8: {  	[tilespmem:s29+$0xFFFFFFE0] =	vst v13;
	v13 =	vand.u32 $0x3F, v23;
	v23 =	vand.u32 $0x3F, v25;
	v21 =	vld.idx.msk [tilespmem:v21+s2+$0x0], $0xffff;
	v25 =	vadd.s32 s18, v8  }
0xf9: {  	s4 =	sor.u32 $0x60, s3;
	s14 =	simm.s32 $0x28;
	v61 =	vor.u32 s12, v13;
	v13 =	vor.u32 s10, v23;
	v23 =	vand.u32 $0x3F, v25;
	v62 =	vld.idx.msk [tilespmem:v22+s2+$0x0], $0xffff  }
0xfa: {  	s31 =	simm.s32 $0x480;
	s6 =	simm.s32 $0xFFFFFFF8;
	s5 =	sor.u32 $0x70, s5;
	v63 =	vadd.s32 s14, v8;
	v25 =	vld.idx.msk [tilespmem:v12+s2+$0x0], $0xffff;
	v22 =	vor.u32 s30, v23;
	[tilespmem:s4+$0x5980] =	vst v15;
	v15 =	vand.u32 $0x3F, v17  }
0xfb: {  	s8 =	simm.s32 $0x8;
	s17 =	simm.s32 $0x140;
	[tilespmem:s5+$0x5980] =	vst v20;
	v20 =	vand.u32 $0x3F, v26;
	v17 =	vadd.s32 s6, v8;
	v16 =	vld.idx.msk [tilespmem:v16+s2+$0x0], $0xffff;
	v26 =	vor.u32 s31, v15  }
0xfc: {  	s9 =	simm.s32 $0x2B;
	s7 =	sor.u32 $0x50, s17;
	s1 =	simm.s32 $0x400;
	[tilespmem:s0+$0x0] =	vst v24;
	v12 =	vor.u32 s10, v20;
	v15 =	vld.idx.msk [tilespmem:v18+s2+$0x0], $0xffff;
	v17 =	vand.u32 $0x3F, v17;
	v18 =	vadd.s32 s8, v8  }
0xfd: {  	s25 =	simm.s32 $0x5B20;
	s6 =	simm.s32 $0x19;
	[tilespmem:s7+$0x5980] =	vst v19;
	v19 =	vadd.s32 s9, v8;
	v23 =	vor.u32 s1, v17;
	v17 =	vand.u32 $0x3F, v18;
	v18 =	vld.idx.msk [tilespmem:v14+s2+$0x0], $0xffff  }
0xfe: {  	s3 =	sor.u32 $0x70, s3;
	s10 =	simm.s32 $0x18;
	v19 =	vand.u32 $0x3F, v19;
	[tilespmem:s25+$0x20] =	vst v21;
	v14 =	vor.u32 s1, v17;
	v17 =	vadd.s32 s6, v8;
	v20 =	vld.idx.msk [tilespmem:v61+s2+$0x0], $0xffff  }
0xff: {  	s13 =	simm.s32 $0x17;
	s14 =	simm.s32 $0x15;
	s18 =	simm.s32 $0x7;
	v24 =	vor.u32 s12, v19;
	v19 =	vadd.s32 s10, v8;
	v17 =	vand.u32 $0x3F, v17;
	[tilespmem:s29+$0xFFFFFFF0] =	vst v62;
	v22 =	vld.idx.msk [tilespmem:v22+s2+$0x0], $0xffff  }
0x100: {  	s5 =	simm.s32 $0xA;
	s8 =	simm.s32 $0xFFFFFFF5;
	s7 =	simm.s32 $0xC;
	v19 =	vand.u32 $0x3F, v19;
	[tilespmem:s25+$0xFFFFFFE0] =	vst v25;
	v25 =	vor.u32 s30, v17;
	v21 =	vld.idx.msk [tilespmem:v26+s2+$0x0], $0xffff;
	v26 =	vadd.s32 s18, v8  }
0x101: {  	s9 =	sor.u32 $0x60, s17;
	s12 =	simm.s32 $0x5B20;
	v17 =	vor.u32 s1, v19;
	v19 =	vand.u32 $0x3F, v63;
	[tilespmem:s3+$0x5980] =	vst v16;
	v16 =	vld.idx.msk [tilespmem:v27+s2+$0x0], $0xffff;
	s3 =	simm.s32 $0x140;
	v26 =	vand.u32 $0x3F, v26  }
.LBB2_4:
0x102: {  	p0 =	slt.u32 s7, $0x3E;
	s10 =	sshll.u32 s5, $0x7;
	s17 =	sadd.s32 $0x80, s17  }
0x103: {  	v27 =	vadd.s32 s8, v8;
	v28 =	vld.idx.msk [tilespmem:v23+s2+$0x0], $0xffff;
	v26 =	vor.u32 s31, v26;
	[tilespmem:s9+$0x5980] =	vst v20;
	s8 =	smov.u32 s13;
	s13 =	smov.u32 s14;
	s5 =	smov.u32 s7  }
0x104: {  	s9 =	sadd.s32 $0xFFFFFFE1, s14;
	v19 =	vor.u32 s1, v19;
	v20 =	vand.u32 $0x3F, v27;
	s4 =	sadd.s32 $0x80, s10;
	s1 =	sor.u32 $0x50, s17;
	v27 =	vld.idx.msk [tilespmem:v24+s2+$0x0], $0xffff;
	[tilespmem:s28+$0x0] =	vst v15  }
0x105: {  	s18 =	sadd.s32 $0x1, s14;
	v23 =	vadd.s32 s9, v8;
	s9 =	sadd.s32 $0xFFFFFFF1, s14;
	v29 =	vor.u32 s4, v20;
	[tilespmem:s1+$0x5980] =	vst v22;
	s1 =	sadd.s32 $0x10, s6;
	v15 =	vld.idx.msk [tilespmem:v11+s2+$0x0], $0xffff;
	v11 =	vmovc v13;
	v13 =	vmov v17  }
0x106: {  	s25 =	sadd.s32 $0x80, s25;
	v17 =	vand.u32 $0x3F, v23;
	v22 =	vadd.s32 s9, v8;
	s6 =	sadd.s32 $0x11, s14;
	v20 =	vld.idx.msk [tilespmem:v25+s2+$0x0], $0xffff;
	v24 =	vadd.s32 s1, v8;
	[tilespmem:s0+$0x10] =	vst v18;
	s1 =	smov.u32 s10  }
.Ltmp1:
0x107: {  	s0 =	smov.u32 s28;
	s28 =	smov.u32 s29;
	v23 =	vor.u32 s1, v17;
	v17 =	vand.u32 $0x3F, v22;
	[tilespmem:s25+$0x20] =	vst v21;
	v21 =	vand.u32 $0x3F, v24;
	v18 =	vld.idx.msk [tilespmem:v9+s2+$0x0], $0xffff;
	v9 =	vmovc v10;
	v10 =	vmovc v12;
	(pc) =	sbr.rel @p0 .LBB2_4-.Ltmp1, $4  }
0x108: {  	s29 =	smov.u32 s12;
	v12 =	vmovc v19;
	v30 =	vor.u32 s1, v17;
	v22 =	vld.idx.msk [tilespmem:v26+s2+$0x0], $0xffff;
	v17 =	vadd.s32 s8, v8;
	v24 =	vor.u32 s30, v21;
	s30 =	smov.u32 s31;
	s31 =	smov.u32 s4  }
0x109: {  	v19 =	vadd.s32 s18, v8;
	v26 =	vadd.s32 s6, v8;
	s4 =	sadd.s32 $0xFFFFFFF0, s14;
	s6 =	sor.u32 $0x70, s3;
	s3 =	smov.u32 s17;
	[tilespmem:s25+$0xFFFFFFE0] =	vst v28;
	v17 =	vand.u32 $0x3F, v17  }
0x10a: {  	s12 =	smov.u32 s25;
	v19 =	vand.u32 $0x3F, v19;
	s14 =	sadd.s32 $0xFFFFFFFE, s14;
	v28 =	vadd.s32 s4, v8;
	v21 =	vld.idx.msk [tilespmem:v29+s2+$0x0], $0xffff;
	v25 =	vor.u32 s30, v17;
	[tilespmem:s6+$0x5980] =	vst v27;
	s6 =	smov.u32 s8  }
0x10b: {  	s7 =	sadd.s32 $0x2, s7;
	s9 =	sor.u32 $0x60, s17;
	s8 =	sadd.s32 $0xFFFFFFE0, s14;
	v17 =	vor.u32 s1, v19;
	v19 =	vand.u32 $0x3F, v26;
	v26 =	vand.u32 $0x3F, v28;
	[tilespmem:s29+$0xFFFFFFF0] =	vst v16;
	v16 =	vld.idx.msk [tilespmem:v14+s2+$0x0], $0xffff;
	v14 =	vmovc v30  }
0x10c: {  	s5 =	sshll.u32 s5, $0x7;
	v27 =	vadd.s32 s8, v8;
	s4 =	sadd.s32 $0xFFFFFFE1, s14  }
0x10d: {  	v27 =	vand.u32 $0x3F, v27;
	s8 =	sadd.s32 $0x80, s5;
	v28 =	vadd.s32 s4, v8  }
0x10e: {  	v27 =	vor.u32 s8, v27;
	v28 =	vand.u32 $0x3F, v28  }
0x10f: {  	[tilespmem:s9+$0x5980] =	vst v20;
	v20 =	vor.u32 s5, v28  }
0x110: {  	v23 =	vld.idx.msk [tilespmem:v23+s2+$0x0], $0xffff;
	s17 =	sadd.s32 $0x80, s17;
	[tilespmem:s28+$0x0] =	vst v15  }
0x111: {  	s7 =	sadd.s32 $0xFFFFFFF0, s14;
	[tilespmem:s0+$0x10] =	vst v18;
	v11 =	vld.idx.msk [tilespmem:v11+s2+$0x0], $0xffff;
	s10 =	sor.u32 $0x50, s17  }
0x112: {  	v15 =	vor.u32 s31, v26;
	s18 =	sadd.s32 $0xFFFFFFF1, s14;
	v24 =	vld.idx.msk [tilespmem:v24+s2+$0x0], $0xffff;
	[tilespmem:s10+$0x5980] =	vst v22;
	v22 =	vadd.s32 s7, v8;
	s7 =	sadd.s32 $0x80, s25  }
0x113: {  	v26 =	vadd.s32 s18, v8;
	v22 =	vand.u32 $0x3F, v22;
	[tilespmem:s7+$0x20] =	vst v21;
	v18 =	vld.idx.msk [tilespmem:v27+s2+$0x0], $0xffff  }
0x114: {  	v26 =	vand.u32 $0x3F, v26;
	v21 =	vor.u32 s8, v22;
	[tilespmem:s12+$0xFFFFFFF0] =	vst v16;
	v20 =	vld.idx.msk [tilespmem:v20+s2+$0x0], $0xffff  }
0x115: {  	v9 =	vld.idx.msk [tilespmem:v9+s2+$0x0], $0xffff;
	[tilespmem:s7+$0xFFFFFFE0] =	vst v23;
	v23 =	vor.u32 s5, v26  }
0x116: {  	s3 =	sor.u32 $0x70, s3;
	v25 =	vld.idx.msk [tilespmem:v25+s2+$0x0], $0xffff;
	v26 =	vadd.s32 s13, v8;
	[tilespmem:s29+$0x0] =	vst v11  }
0x117: {  	s0 =	sadd.s32 $0x80, s7;
	v15 =	vld.idx.msk [tilespmem:v15+s2+$0x0], $0xffff;
	[tilespmem:s3+$0x5980] =	vst v24;
	v24 =	vand.u32 $0x3F, v26  }
0x118: {  	s25 =	sadd.s32 $0x10, s6;
	s6 =	sadd.s32 $0x1, s14;
	v14 =	vld.idx.msk [tilespmem:v14+s2+$0x0], $0xffff;
	v16 =	vor.u32 s31, v24;
	[tilespmem:s0+$0x20] =	vst v18;
	v18 =	vadd.s32 s14, v8  }
0x119: {  	v24 =	vadd.s32 s6, v8;
	v21 =	vld.idx.msk [tilespmem:v21+s2+$0x0], $0xffff;
	v18 =	vand.u32 $0x3F, v18;
	[tilespmem:s0+$0xFFFFFFE0] =	vst v20  }
0x11a: {  	s4 =	sor.u32 $0x60, s17;
	v22 =	vadd.s32 s25, v8;
	s3 =	sadd.s32 $0x80, s17;
	[tilespmem:s28+$0x10] =	vst v9;
	v20 =	vand.u32 $0x3F, v24;
	v18 =	vor.u32 s8, v18;
	v11 =	vld.idx.msk [tilespmem:v23+s2+$0x0], $0xffff  }
0x11b: {  	s10 =	sadd.s32 $0x10, s13;
	v22 =	vand.u32 $0x3F, v22;
	v13 =	vld.idx.msk [tilespmem:v13+s2+$0x0], $0xffff;
	s9 =	sor.u32 $0x50, s3;
	[tilespmem:s4+$0x5980] =	vst v25;
	v20 =	vor.u32 s5, v20  }
0x11c: {  	v22 =	vor.u32 s30, v22;
	v10 =	vld.idx.msk [tilespmem:v10+s2+$0x0], $0xffff;
	s4 =	sadd.s32 $0x80, s3;
	[tilespmem:s9+$0x5980] =	vst v15;
	v15 =	vadd.s32 s10, v8  }
0x11d: {  	s18 =	sadd.s32 $0x10, s14;
	s13 =	sor.u32 $0x50, s4;
	v9 =	vand.u32 $0x3F, v15;
	[tilespmem:s7+$0xFFFFFFF0] =	vst v14;
	v16 =	vld.idx.msk [tilespmem:v16+s2+$0x0], $0xffff  }
0x11e: {  	s25 =	sadd.s32 $0x11, s14;
	v15 =	vadd.s32 s18, v8;
	v9 =	vor.u32 s31, v9;
	v17 =	vld.idx.msk [tilespmem:v17+s2+$0x0], $0xffff;
	[tilespmem:s13+$0x5980] =	vst v21  }
0x11f: {  	v15 =	vand.u32 $0x3F, v15;
	v14 =	vld.idx.msk [tilespmem:v18+s2+$0x0], $0xffff;
	v18 =	vadd.s32 s25, v8;
	[tilespmem:s0+$0xFFFFFFF0] =	vst v11;
	v11 =	vor.u32 s1, v19  }
0x120: {  	[tilespmem:s12+$0x0] =	vst v13;
	v15 =	vor.u32 s8, v15;
	v18 =	vand.u32 $0x3F, v18;
	v19 =	vld.idx.msk [tilespmem:v20+s2+$0x0], $0xffff  }
0x121: {  	s10 =	sor.u32 $0x60, s3;
	v22 =	vld.idx.msk [tilespmem:v22+s2+$0x0], $0xffff;
	[tilespmem:s29+$0x10] =	vst v10;
	v18 =	vor.u32 s5, v18  }
0x122: {  	v12 =	vld.idx.msk [tilespmem:v12+s2+$0x0], $0xffff;
	[tilespmem:s10+$0x5980] =	vst v16  }
0x123: {  	[tilespmem:s7+$0x0] =	vst v17;
	v9 =	vld.idx.msk [tilespmem:v9+s2+$0x0], $0xffff;
	s13 =	sor.u32 $0x60, s4  }
0x124: {  	[tilespmem:s13+$0x5980] =	vst v14;
	v11 =	vld.idx.msk [tilespmem:v11+s2+$0x0], $0xffff  }
0x125: {  	s9 =	sor.u32 $0x70, s17;
	v13 =	vld.idx.msk [tilespmem:v15+s2+$0x0], $0xffff;
	[tilespmem:s0+$0x0] =	vst v19  }
0x126: {  	[tilespmem:s9+$0x5980] =	vst v22;
	v10 =	vld.idx.msk [tilespmem:v18+s2+$0x0], $0xffff  }
0x127: {  	s14 =	sor.u32 $0x70, s3;
	[tilespmem:s12+$0x10] =	vst v12  }
0x128: {  	[tilespmem:s14+$0x5980] =	vst v9  }
0x129: {  	s17 =	sor.u32 $0x70, s4;
	[tilespmem:s7+$0x10] =	vst v11  }
0x12a: {  	[tilespmem:s17+$0x5980] =	vst v13  }
0x12b: {  	s18 =	simm.s32 $0x3;
	[tilespmem:s0+$0x10] =	vst v10  }
0x12c: {  	_ =	swait.ge [sflag:s18], $0x80  }
0x12d: {  	[sflag:s18] =	ssyncset.done $0x0  }
0x12e: {  	[sflag:s18] =	ssyncadd.s32 $0xFFFFFF80  }
0x12f: {  	[bflag:$0x0] =	sbarrier.arrive $0xFFFF  }
0x130: {  	s28 =	simm.s32 $0x0;
	s25 =	rddreg [dreg:$0x5]  }
0x131: {  	[tilespmem:s19], [sflag:$0x4] =	stream.linear.gather [hbm4b:s25+s28], $0x800, $0x38;
	[tilespmem:$0x8A00] =	vst v63  }
0x132: {  	_ =	swait.ge [sflag:s15], $0x800  }
0x133: {  	[sflag:s15] =	ssyncset.done $0x0  }
0x134: {  	[sflag:s15] =	ssyncadd.s32 $0xFFFFF800  }
0x135: {  	v9 =	vld.idx.msk [tilespmem:v0+s19+$0x0], $0xffff;
	_ =	sdelay $0x4  }
0x136: {  	[tilespmem:$0x5880] =	vst v9  }
0x137: {  	v9 =	vld.idx.msk [tilespmem:v1+s19+$0x0], $0xffff;
	_ =	sdelay $0x4  }
0x138: {  	[tilespmem:$0x5900] =	vst v9  }
0x139: {  	v9 =	vld.idx.msk [tilespmem:v2+s19+$0x0], $0xffff;
	_ =	sdelay $0x4  }
0x13a: {  	[tilespmem:$0x5890] =	vst v9  }
0x13b: {  	v9 =	vld.idx.msk [tilespmem:v3+s19+$0x0], $0xffff;
	_ =	sdelay $0x4  }
0x13c: {  	[tilespmem:$0x5910] =	vst v9  }
0x13d: {  	v9 =	vld.idx.msk [tilespmem:v4+s19+$0x0], $0xffff;
	_ =	sdelay $0x4  }
0x13e: {  	[tilespmem:$0x58A0] =	vst v9  }
0x13f: {  	v9 =	vld.idx.msk [tilespmem:v5+s19+$0x0], $0xffff;
	_ =	sdelay $0x4  }
0x140: {  	[tilespmem:$0x5920] =	vst v9  }
0x141: {  	v9 =	vld.idx.msk [tilespmem:v6+s19+$0x0], $0xffff;
	_ =	sdelay $0x4  }
0x142: {  	[tilespmem:$0x58B0] =	vst v9  }
0x143: {  	v10 =	vld.idx.msk [tilespmem:v7+s19+$0x0], $0xffff;
	_ =	sdelay $0x2  }
0x144: {  	v31 =	vmov s28;
	s29 =	simm.s32 $0x3;
	s31 =	simm.s32 $0x2  }
0x145: {  	v12 =	vadd.s32 s31, v8;
	v22 =	vmov s29;
	v19 =	vmov s31  }
0x146: {  	s30 =	simm.s32 $0x1;
	v17 =	vand.u32 $0x3F, v12;
	v12 =	vmul.u32 $0x40, v8;
	v13 =	vadd.s32 s29, v8;
	[tilespmem:$0x5930] =	vst v10  }
0x147: {  	v11 =	vadd.s32 s30, v8;
	v20 =	vand.u32 $0x3F, v13;
	v13 =	vor.u32 $0x10, v8;
	_ =	swait.ge [sflag:s20], $0x2000  }
0x148: {  	v18 =	vmov s30;
	v16 =	vand.u32 $0x3F, v11;
	v24 =	vadd.s32 s28, v13;
	[sflag:s20] =	ssyncset.done $0x0  }
0x149: {  	v14 =	vor.u32 $0x400, v12;
	v29 =	vor.u32 v12, v16;
	v24 =	vand.u32 $0x3F, v24;
	[sflag:s20] =	ssyncadd.s32 $0xFFFFE000  }
0x14a: {  	v21 =	vadd.s32 s28, v8;
	v24 =	vor.u32 v14, v24;
	v26 =	vld.idx.msk [tilespmem:v19+s21+$0x0], $0xffff  }
0x14b: {  	v21 =	vand.u32 $0x3F, v21;
	v30 =	vor.u32 v12, v17;
	v11 =	vor.u32 $0x30, v8;
	v38 =	vld.idx.msk [tilespmem:v22+s21+$0x0], $0xffff  }
0x14c: {  	v28 =	vadd.s32 s28, v11;
	v35 =	vadd.s32 s31, v13;
	v20 =	vor.u32 v12, v20;
	v34 =	vld.idx.msk [tilespmem:v31+s21+$0x0], $0xffff  }
0x14d: {  	v21 =	vor.u32 v12, v21;
	v32 =	vand.u32 $0x3F, v28;
	v35 =	vand.u32 $0x3F, v35;
	v28 =	vld.idx.msk [tilespmem:v18+s21+$0x0], $0xffff  }
0x14e: {  	v17 =	vor.u32 $0xC00, v12;
	v23 =	vadd.s32 s29, v11;
	v35 =	vor.u32 v14, v35;
	v29 =	vld.idx.msk [tilespmem:v29+s23+$0x0], $0xffff  }
0x14f: {  	v27 =	vadd.s32 s31, v11;
	v23 =	vand.u32 $0x3F, v23;
	v32 =	vor.u32 v17, v32;
	v24 =	vld.idx.msk [tilespmem:v24+s23+$0x0], $0xffff  }
0x150: {  	v36 =	vadd.s32 s30, v11;
	v27 =	vand.u32 $0x3F, v27;
	v23 =	vor.u32 v17, v23;
	v30 =	vld.idx.msk [tilespmem:v30+s23+$0x0], $0xffff  }
0x151: {  	v36 =	vand.u32 $0x3F, v36;
	v27 =	vor.u32 v17, v27;
	v20 =	vld.idx.msk [tilespmem:v20+s23+$0x0], $0xffff  }
0x152: {  	v36 =	vor.u32 v17, v36;
	v21 =	vld.idx.msk [tilespmem:v21+s23+$0x0], $0xffff  }
0x153: {  	v15 =	vimm.s32 $0x0;
	v16 =	vor.u32 $0x800, v12;
	v37 =	vadd.s32 s29, v13;
	v35 =	vld.idx.msk [tilespmem:v35+s23+$0x0], $0xffff  }
0x154: {  	v40 =	vadd.s32 s30, v13;
	v37 =	vand.u32 $0x3F, v37;
	v10 =	vor.u32 $0x20, v8;
	v32 =	vld.idx.msk [tilespmem:v32+s23+$0x0], $0xffff  }
0x155: {  	v40 =	vand.u32 $0x3F, v40;
	v37 =	vor.u32 v14, v37;
	v25 =	vadd.s32 s28, v10;
	v23 =	vld.idx.msk [tilespmem:v23+s23+$0x0], $0xffff  }
0x156: {  	v40 =	vor.u32 v14, v40;
	v9 =	vimm.f32 $+Inf;
	v25 =	vand.u32 $0x3F, v25;
	v27 =	vld.idx.msk [tilespmem:v27+s23+$0x0], $0xffff  }
0x157: {  	v33 =	vadd.s32 s31, v10;
	v39 =	vadd.s32 s29, v10;
	v25 =	vor.u32 v16, v25;
	v43 =	vld.idx.msk [tilespmem:v36+s23+$0x0], $0xffff  }
0x158: {  	v39 =	vand.u32 $0x3F, v39;
	v29 =	vsub.f32 v29, v28;
	v24 =	vsub.f32 v24, v34  }
0x159: {  	v39 =	vor.u32 v16, v39;
	v30 =	vsub.f32 v30, v26;
	v20 =	vsub.f32 v20, v38  }
0x15a: {  	v41 =	vadd.s32 s30, v10;
	v21 =	vsub.f32 v21, v34;
	v62 =	vsub.f32 v35, v26  }
0x15b: {  	v41 =	vand.u32 $0x3F, v41;
	v44 =	vld.idx.msk [tilespmem:v37+s23+$0x0], $0xffff;
	v42 =	vsub.f32 v32, v34;
	v23 =	vsub.f32 v23, v38  }
0x15c: {  	v33 =	vand.u32 $0x3F, v33;
	v25 =	vld.idx.msk [tilespmem:v25+s23+$0x0], $0xffff;
	v36 =	vsub.f32 v27, v26;
	v43 =	vsub.f32 v43, v28  }
0x15d: {  	v46 =	vor.u32 v16, v41;
	v27 =	vld.idx.msk [tilespmem:v19+s22+$0x0], $0xffff;
	v29 =	vadd.f32 $9.999999970e-07, v29;
	v24 =	vadd.f32 $9.999999970e-07, v24  }
0x15e: {  	v60 =	vor.u32 v16, v33;
	v61 =	vadd.f32 $9.999999970e-07, v30;
	v30 =	vadd.f32 $9.999999970e-07, v20;
	v20 =	vld.idx.msk [tilespmem:v39+s23+$0x0], $0xffff  }
0x15f: {  	v19 =	vimm.s32 $0x0;
	v63 =	vadd.f32 $9.999999970e-07, v21;
	v21 =	vld.idx.msk [tilespmem:v18+s22+$0x0], $0xffff;
	v18 =	vadd.f32 $9.999999970e-07, v42  }
0x160: {  	v23 =	vadd.f32 $9.999999970e-07, v23;
	v39 =	vld.idx.msk [tilespmem:v40+s23+$0x0], $0xffff;
	v40 =	vsub.f32 v44, v38;
	v29 =	vmul.f32 v29, v29  }
0x161: {  	v35 =	vmul.f32 v61, v61;
	v33 =	vmul.f32 v63, v63;
	v34 =	vsub.f32 v25, v34  }
0x162: {  	v42 =	vmul.f32 v24, v24;
	v37 =	vmul.f32 $1.024000000e+03, v29;
	v29 =	vadd.f32 $9.999999970e-07, v62  }
0x163: {  	v31 =	vld.idx.msk [tilespmem:v31+s22+$0x0], $0xffff;
	v44 =	vmul.f32 v18, v18;
	v24 =	vimm.f32 $+Inf;
	v25 =	vimm.f32 $+Inf  }
0x164: {  	v18 =	vimm.s32 $0x0;
	v45 =	vsub.f32 v20, v38;
	v38 =	vld.idx.msk [tilespmem:v46+s23+$0x0], $0xffff;
	v41 =	vmul.f32 v29, v29  }
0x165: {  	s0 =	simm.s32 $0x4;
	v32 =	vld.idx.msk [tilespmem:v60+s23+$0x0], $0xffff;
	v20 =	vimm.s32 $0x0;
	v29 =	vmul.f32 v23, v23;
	v23 =	vimm.f32 $+Inf  }
.LBB2_6:
0x166: {  	p0 =	slt.u32 s0, $0x3C;
	v37 =	vadd.f32 v37, v21;
	v39 =	vsub.f32 v39, v28;
	v41 =	vmul.f32 $1.024000000e+03, v41;
	s1 =	smov.u32 s0;
	s0 =	sadd.s32 $0x4, s0  }
0x167: {  	v42 =	vmul.f32 $1.024000000e+03, v42;
	v43 =	vadd.f32 $9.999999970e-07, v43;
	v45 =	vadd.f32 $9.999999970e-07, v45  }
0x168: {  	v40 =	vadd.f32 $9.999999970e-07, v40;
	v44 =	vmul.f32 $1.024000000e+03, v44;
	v41 =	vadd.f32 v41, v27  }
0x169: {  	v39 =	vadd.f32 $9.999999970e-07, v39;
	v28 =	vsub.f32 v38, v28;
	v38 =	vmul.f32 v43, v43  }
0x16a: {  	v35 =	vmul.f32 $1.024000000e+03, v35;
	v36 =	vadd.f32 $9.999999970e-07, v36;
	v43 =	vadd.f32 v44, v31  }
0x16b: {  	v26 =	vsub.f32 v32, v26;
	v32 =	vmul.f32 v45, v45;
	v28 =	vadd.f32 $9.999999970e-07, v28  }
0x16c: {  	v34 =	vadd.f32 $9.999999970e-07, v34;
	v39 =	vmul.f32 v39, v39;
	vm9 =	vlt.f32 v43, v9;
	v22 =	vld.idx.msk [tilespmem:v22+s22+$0x0], $0xffff  }
0x16d: {  	v35 =	vadd.f32 v35, v27;
	v42 =	vadd.f32 v42, v31;
	v28 =	vmul.f32 v28, v28  }
0x16e: {  	v33 =	vmul.f32 $1.024000000e+03, v33;
	s3 =	sadd.s32 $0x1, s1;
	v26 =	vadd.f32 $9.999999970e-07, v26;
	v32 =	vmul.f32 $1.024000000e+03, v32  }
0x16f: {  	v34 =	vmul.f32 v34, v34;
	v40 =	vmul.f32 v40, v40;
	v44 =	vadd.s32 s3, v8  }
0x170: {  	v30 =	vmul.f32 v30, v30;
	v36 =	vmul.f32 v36, v36;
	vm8 =	vlt.f32 v42, v24  }
0x171: {  	v33 =	vadd.f32 v33, v31;
	v34 =	vmul.f32 $1.024000000e+03, v34;
	v40 =	vmul.f32 $1.024000000e+03, v40  }
0x172: {  	v30 =	vmul.f32 $1.024000000e+03, v30;
	v26 =	vmul.f32 v26, v26;
	v32 =	vadd.f32 v32, v22  }
0x173: {  	vm11 =	vlt.f32 v33, v25;
	v31 =	vadd.f32 v34, v31;
	v34 =	vmul.f32 $1.024000000e+03, v39  }
0x174: {  	v25 =	vsel vm11, v33, v25;
	v24 =	vsel vm8, v42, v24;
	v9 =	vsel vm9, v43, v9  }
0x175: {  	v26 =	vmul.f32 $1.024000000e+03, v26;
	vm10 =	vlt.f32 v31, v23;
	v33 =	vadd.f32 v40, v22  }
0x176: {  	v15 =	vsel vm11, s28, v15;
	v23 =	vsel vm10, v31, v23;
	v31 =	vadd.f32 v34, v21  }
0x177: {  	v29 =	vmul.f32 $1.024000000e+03, v29;
	vm11 =	vlt.f32 v37, v25;
	v30 =	vadd.f32 v30, v22  }
0x178: {  	v19 =	vsel vm9, s28, v19;
	v25 =	vsel vm11, v37, v25;
	v34 =	vmul.f32 $1.024000000e+03, v38  }
0x179: {  	v15 =	vsel vm11, s30, v15;
	vm9 =	vlt.f32 v35, v25;
	v22 =	vadd.f32 v29, v22  }
0x17a: {  	v28 =	vmul.f32 $1.024000000e+03, v28;
	v25 =	vsel vm9, v35, v25;
	v29 =	vadd.f32 v34, v21  }
0x17b: {  	v26 =	vadd.f32 v26, v27;
	vm12 =	vlt.f32 v31, v24;
	v34 =	vmul.f32 $1.024000000e+03, v36  }
0x17c: {  	v21 =	vadd.f32 v28, v21;
	v24 =	vsel vm12, v31, v24;
	vm13 =	vlt.f32 v29, v9  }
0x17d: {  	vm14 =	vlt.f32 v41, v24;
	v27 =	vadd.f32 v34, v27;
	vm11 =	vlt.f32 v30, v25  }
0x17e: {  	vm15 =	vlt.f32 v21, v23;
	v24 =	vsel vm14, v41, v24;
	v25 =	vsel vm11, v30, v25  }
0x17f: {  	v20 =	vsel vm8, s28, v20;
	v21 =	vsel vm15, v21, v23;
	v9 =	vsel vm13, v29, v9  }
0x180: {  	v18 =	vsel vm10, s28, v18;
	s28 =	smov.u32 s1;
	v20 =	vsel vm12, s30, v20;
	vm8 =	vlt.f32 v27, v9  }
0x181: {  	v18 =	vsel vm15, s30, v18;
	v20 =	vsel vm14, s31, v20;
	v9 =	vsel vm8, v27, v9  }
0x182: {  	v19 =	vsel vm13, s30, v19;
	s30 =	smov.u32 s3;
	vm10 =	vlt.f32 v26, v21;
	vm12 =	vlt.f32 v33, v24  }
0x183: {  	v21 =	vsel vm10, v26, v21;
	v19 =	vsel vm8, s31, v19;
	v24 =	vsel vm12, v33, v24  }
0x184: {  	v18 =	vsel vm10, s31, v18;
	v20 =	vsel vm12, s29, v20;
	vm8 =	vlt.f32 v22, v9  }
0x185: {  	v15 =	vsel vm9, s31, v15;
	vm9 =	vlt.f32 v32, v21;
	v9 =	vsel vm8, v22, v9  }
0x186: {  	v15 =	vsel vm11, s29, v15;
	s31 =	sadd.s32 $0x2, s28;
	v23 =	vsel vm9, v32, v21;
	v18 =	vsel vm9, s29, v18  }
0x187: {  	v27 =	vmov s30;
	v21 =	vadd.s32 s31, v8;
	v19 =	vsel vm8, s29, v19;
	s29 =	sadd.s32 $0x3, s28  }
0x188: {  	v29 =	vmov s31;
	v22 =	vmov s29;
	v26 =	vadd.s32 s29, v8  }
0x189: {  	v30 =	vand.u32 $0x3F, v26  }
0x18a: {  	v31 =	vmov s28;
	v21 =	vand.u32 $0x3F, v21;
	v26 =	vand.u32 $0x3F, v44  }
0x18b: {  	v28 =	vadd.s32 s28, v8  }
0x18c: {  	v32 =	vadd.s32 s29, v11  }
0x18d: {  	v34 =	vadd.s32 s28, v10;
	v33 =	vadd.s32 s28, v13;
	v35 =	vadd.s32 s31, v11  }
0x18e: {  	v36 =	vand.u32 $0x3F, v28;
	v28 =	vadd.s32 s28, v11  }
0x18f: {  	v37 =	vand.u32 $0x3F, v28;
	v38 =	vadd.s32 s31, v10  }
0x190: {  	v28 =	vand.u32 $0x3F, v33;
	v33 =	vand.u32 $0x3F, v34;
	v34 =	vadd.s32 s30, v11  }
0x191: {  	v39 =	vadd.s32 s29, v13;
	v40 =	vadd.s32 s29, v10  }
0x192: {  	v42 =	vadd.s32 s30, v13;
	v43 =	vor.u32 v12, v21;
	v41 =	vor.u32 v12, v26;
	v26 =	vld.idx.msk [tilespmem:v29+s21+$0x0], $0xffff  }
0x193: {  	v45 =	vadd.s32 s31, v13;
	v44 =	vor.u32 v14, v28;
	v28 =	vadd.s32 s30, v10;
	v21 =	vld.idx.msk [tilespmem:v27+s22+$0x0], $0xffff  }
0x194: {  	v33 =	vor.u32 v16, v33;
	v45 =	vand.u32 $0x3F, v45;
	v32 =	vand.u32 $0x3F, v32;
	v46 =	vld.idx.msk [tilespmem:v22+s21+$0x0], $0xffff  }
0x195: {  	v45 =	vor.u32 v14, v45;
	v40 =	vand.u32 $0x3F, v40;
	v48 =	vand.u32 $0x3F, v28;
	v47 =	vld.idx.msk [tilespmem:v31+s21+$0x0], $0xffff  }
0x196: {  	v28 =	vld.idx.msk [tilespmem:v27+s21+$0x0], $0xffff;
	v27 =	vor.u32 v12, v30;
	v30 =	vand.u32 $0x3F, v39;
	v39 =	vor.u32 v16, v40  }
0x197: {  	v35 =	vand.u32 $0x3F, v35;
	v40 =	vld.idx.msk [tilespmem:v41+s23+$0x0], $0xffff;
	v41 =	vor.u32 v16, v48;
	v30 =	vor.u32 v14, v30  }
0x198: {  	v36 =	vor.u32 v12, v36;
	v35 =	vor.u32 v17, v35;
	v32 =	vor.u32 v17, v32;
	v44 =	vld.idx.msk [tilespmem:v44+s23+$0x0], $0xffff  }
0x199: {  	v37 =	vor.u32 v17, v37;
	v42 =	vand.u32 $0x3F, v42;
	v34 =	vand.u32 $0x3F, v34;
	v43 =	vld.idx.msk [tilespmem:v43+s23+$0x0], $0xffff  }
0x19a: {  	v38 =	vand.u32 $0x3F, v38;
	v34 =	vor.u32 v17, v34;
	v48 =	vld.idx.msk [tilespmem:v33+s23+$0x0], $0xffff;
	v33 =	vor.u32 v14, v42  }
0x19b: {  	v38 =	vor.u32 v16, v38;
	v42 =	vld.idx.msk [tilespmem:v45+s23+$0x0], $0xffff  }
0x19c: {  	v27 =	vld.idx.msk [tilespmem:v27+s23+$0x0], $0xffff  }
0x19d: {  	v40 =	vsub.f32 v40, v28;
	v36 =	vld.idx.msk [tilespmem:v36+s23+$0x0], $0xffff  }
0x19e: {  	v44 =	vsub.f32 v44, v47;
	v37 =	vld.idx.msk [tilespmem:v37+s23+$0x0], $0xffff  }
0x19f: {  	v40 =	vadd.f32 $9.999999970e-07, v40;
	v45 =	vld.idx.msk [tilespmem:v34+s23+$0x0], $0xffff;
	v34 =	vsub.f32 v43, v26  }
0x1a0: {  	v43 =	vadd.f32 $9.999999970e-07, v44;
	v44 =	vld.idx.msk [tilespmem:v32+s23+$0x0], $0xffff  }
0x1a1: {  	v40 =	vmul.f32 v40, v40;
	v34 =	vadd.f32 $9.999999970e-07, v34;
	v49 =	vld.idx.msk [tilespmem:v35+s23+$0x0], $0xffff  }
0x1a2: {  	v27 =	vsub.f32 v27, v46;
	v32 =	vld.idx.msk [tilespmem:v38+s23+$0x0], $0xffff  }
0x1a3: {  	v35 =	vsub.f32 v36, v47;
	v36 =	vsub.f32 v42, v26;
	v50 =	vld.idx.msk [tilespmem:v30+s23+$0x0], $0xffff  }
0x1a4: {  	v30 =	vadd.f32 $9.999999970e-07, v27;
	v51 =	vld.idx.msk [tilespmem:v39+s23+$0x0], $0xffff  }
0x1a5: {  	v38 =	vsub.f32 v37, v47;
	v27 =	vadd.f32 $9.999999970e-07, v35;
	v35 =	vmul.f32 v34, v34;
	v39 =	vld.idx.msk [tilespmem:v33+s23+$0x0], $0xffff  }
.Ltmp2:
0x1a6: {  	v37 =	vmul.f32 $1.024000000e+03, v40;
	v40 =	vadd.f32 $9.999999970e-07, v36;
	v42 =	vsub.f32 v44, v46;
	(pc) =	sbr.rel @p0 .LBB2_6-.Ltmp2, $4  }
0x1a7: {  	v34 =	vsub.f32 v48, v47;
	v33 =	vmul.f32 v27, v27;
	v36 =	vsub.f32 v49, v26;
	v27 =	vld.idx.msk [tilespmem:v29+s22+$0x0], $0xffff  }
0x1a8: {  	v29 =	vadd.f32 $9.999999970e-07, v38;
	v47 =	vadd.f32 $9.999999970e-07, v42;
	v38 =	vld.idx.msk [tilespmem:v41+s23+$0x0], $0xffff;
	v41 =	vmul.f32 v40, v40  }
0x1a9: {  	v42 =	vmul.f32 v43, v43;
	v43 =	vsub.f32 v45, v28;
	v40 =	vsub.f32 v50, v46;
	v31 =	vld.idx.msk [tilespmem:v31+s22+$0x0], $0xffff  }
0x1aa: {  	v44 =	vmul.f32 v29, v29;
	v45 =	vsub.f32 v51, v46;
	v29 =	vmul.f32 v47, v47  }
0x1ab: {  	v10 =	vadd.f32 v37, v21;
	v11 =	vmul.f32 $1.024000000e+03, v41;
	v12 =	vsub.f32 v39, v28  }
0x1ac: {  	v13 =	vmul.f32 $1.024000000e+03, v42;
	v14 =	vadd.f32 $9.999999970e-07, v43;
	v59 =	vadd.f32 $9.999999970e-07, v40  }
0x1ad: {  	v33 =	vmul.f32 $1.024000000e+03, v33;
	v35 =	vmul.f32 $1.024000000e+03, v35;
	v36 =	vadd.f32 $9.999999970e-07, v36  }
0x1ae: {  	v26 =	vsub.f32 v32, v26;
	v61 =	vadd.f32 $9.999999970e-07, v34;
	v30 =	vmul.f32 v30, v30  }
0x1af: {  	v43 =	vmul.u32 $0x80, v8;
	v16 =	vadd.f32 $9.999999970e-07, v45;
	v33 =	vadd.f32 v33, v31  }
0x1b0: {  	v22 =	vld.idx.msk [tilespmem:v22+s22+$0x0], $0xffff;
	v17 =	vmul.f32 $1.024000000e+03, v44;
	v11 =	vadd.f32 v11, v27;
	v12 =	vadd.f32 $9.999999970e-07, v12  }
0x1b1: {  	v60 =	vsub.f32 v38, v28;
	v14 =	vmul.f32 v14, v14;
	vm8 =	vlt.f32 v33, v25  }
0x1b2: {  	v62 =	vadd.f32 v35, v27;
	v30 =	vmul.f32 $1.024000000e+03, v30;
	v25 =	vsel vm8, v33, v25  }
0x1b3: {  	v26 =	vadd.f32 $9.999999970e-07, v26;
	v38 =	vmul.f32 v61, v61;
	vm9 =	vlt.f32 v10, v25  }
0x1b4: {  	v39 =	vmul.f32 v59, v59;
	v12 =	vmul.f32 v12, v12;
	v10 =	vsel vm9, v10, v25  }
0x1b5: {  	v63 =	vadd.f32 v30, v22;
	v15 =	vsel vm8, s28, v15;
	vm8 =	vlt.f32 v62, v10  }
0x1b6: {  	v13 =	vadd.f32 v13, v31;
	v15 =	vsel vm9, s30, v15;
	v10 =	vsel vm8, v62, v10  }
0x1b7: {  	v12 =	vmul.f32 $1.024000000e+03, v12;
	v15 =	vsel vm8, s31, v15;
	vm13 =	vlt.f32 v63, v10  }
0x1b8: {  	v47 =	vor.u32 $0x1, v43;
	v48 =	vmul.f32 v36, v36;
	v15 =	vsel vm13, s29, v15  }
0x1b9: {  	v12 =	vadd.f32 v12, v21;
	vm8 =	vlt.f32 v13, v24;
	v15 =	vshll.u32 v15, $0x7  }
0x1ba: {  	v28 =	vadd.f32 $9.999999970e-07, v60;
	v13 =	vsel vm8, v13, v24;
	v40 =	vor.u32 $0x1, v15  }
0x1bb: {  	v32 =	vmul.f32 $1.024000000e+03, v39;
	v26 =	vmul.f32 v26, v26;
	vm10 =	vlt.f32 v12, v13  }
0x1bc: {  	v30 =	vmul.f32 $1.024000000e+03, v38;
	v28 =	vmul.f32 v28, v28;
	v12 =	vsel vm10, v12, v13  }
0x1bd: {  	v41 =	vadd.f32 v32, v22;
	v42 =	vsel vm8, s28, v20;
	vm11 =	vlt.f32 v11, v12  }
0x1be: {  	v30 =	vadd.f32 v30, v31;
	v44 =	vsel vm10, s30, v42;
	v11 =	vsel vm11, v11, v12;
	v45 =	vld.idx.msk [tilespmem:v15+s11+$0x0], $0xffff  }
0x1bf: {  	v28 =	vmul.f32 $1.024000000e+03, v28;
	v12 =	vsel vm11, s31, v44;
	vm8 =	vlt.f32 v41, v11;
	v46 =	vld.idx.msk [tilespmem:v40+s11+$0x0], $0xffff  }
0x1c0: {  	v16 =	vmul.f32 v16, v16;
	v26 =	vmul.f32 $1.024000000e+03, v26;
	v12 =	vsel vm8, s29, v12  }
0x1c1: {  	vm14 =	vlt.f32 v30, v23;
	v28 =	vadd.f32 v28, v21;
	v12 =	vshll.u32 v12, $0x7  }
0x1c2: {  	v52 =	vor.u32 $0x800, v43;
	v23 =	vsel vm14, v30, v23;
	v49 =	vor.u32 $0x1, v12  }
0x1c3: {  	v16 =	vmul.f32 $1.024000000e+03, v16;
	v26 =	vadd.f32 v26, v27;
	vm15 =	vlt.f32 v28, v23;
	[tilespmem:v43+s24+$0x0] =	vst.idx.msk $0xffff, v45  }
0x1c4: {  	v54 =	vor.u32 $0x801, v43;
	v10 =	vsel vm13, v63, v10;
	v50 =	vsel vm15, v28, v23;
	[tilespmem:v47+s24+$0x0] =	vst.idx.msk $0xffff, v46  }
0x1c5: {  	v16 =	vadd.f32 v16, v22;
	v51 =	vsel vm14, s28, v18;
	vm12 =	vlt.f32 v26, v50;
	[tilespmem:$0x8980] =	vst v10  }
0x1c6: {  	v17 =	vadd.f32 v17, v31;
	v13 =	vsel vm12, v26, v50;
	v10 =	vsel vm15, s30, v51;
	v12 =	vld.idx.msk [tilespmem:v12+s11+$0x0], $0xffff  }
0x1c7: {  	v14 =	vmul.f32 $1.024000000e+03, v14;
	vm13 =	vlt.f32 v16, v13;
	v10 =	vsel vm12, s31, v10;
	v53 =	vld.idx.msk [tilespmem:v49+s11+$0x0], $0xffff  }
0x1c8: {  	v55 =	vmul.f32 $1.024000000e+03, v48;
	v10 =	vsel vm13, s29, v10  }
0x1c9: {  	v14 =	vadd.f32 v14, v21;
	vm14 =	vlt.f32 v17, v9;
	v10 =	vshll.u32 v10, $0x7  }
0x1ca: {  	v9 =	vsel vm14, v17, v9;
	v56 =	vor.u32 $0x1, v10  }
0x1cb: {  	v57 =	vmul.f32 $1.024000000e+03, v29;
	v21 =	vadd.f32 v55, v27;
	vm15 =	vlt.f32 v14, v9;
	[tilespmem:v52+s24+$0x0] =	vst.idx.msk $0xffff, v12  }
0x1cc: {  	v11 =	vsel vm8, v41, v11;
	v9 =	vsel vm15, v14, v9;
	[tilespmem:v54+s24+$0x0] =	vst.idx.msk $0xffff, v53  }
0x1cd: {  	v59 =	vadd.f32 v57, v22;
	v58 =	vsel vm14, s28, v19;
	vm8 =	vlt.f32 v21, v9;
	[tilespmem:$0x8990] =	vst v11  }
0x1ce: {  	v60 =	vor.u32 $0x1000, v43;
	v9 =	vsel vm8, v21, v9;
	v11 =	vsel vm15, s30, v58;
	v10 =	vld.idx.msk [tilespmem:v10+s11+$0x0], $0xffff  }
0x1cf: {  	v61 =	vor.u32 $0x1001, v43;
	v11 =	vsel vm8, s31, v11;
	vm8 =	vlt.f32 v59, v9;
	v15 =	vld.idx.msk [tilespmem:v56+s11+$0x0], $0xffff  }
0x1d0: {  	v11 =	vsel vm8, s29, v11  }
0x1d1: {  	v11 =	vshll.u32 v11, $0x7  }
0x1d2: {  	v62 =	vor.u32 $0x1, v11  }
0x1d3: {  	[tilespmem:v60+s24+$0x0] =	vst.idx.msk $0xffff, v10  }
0x1d4: {  	v10 =	vsel vm13, v16, v13;
	[tilespmem:v61+s24+$0x0] =	vst.idx.msk $0xffff, v15  }
0x1d5: {  	[tilespmem:$0x89A0] =	vst v10  }
0x1d6: {  	v10 =	vld.idx.msk [tilespmem:v11+s11+$0x0], $0xffff;
	v11 =	vor.u32 $0x1800, v43  }
0x1d7: {  	v63 =	vor.u32 $0x1801, v43;
	v12 =	vld.idx.msk [tilespmem:v62+s11+$0x0], $0xffff;
	_ =	sdelay $0x3  }
0x1d8: {  	[tilespmem:v11+s24+$0x0] =	vst.idx.msk $0xffff, v10  }
0x1d9: {  	v9 =	vsel vm8, v59, v9;
	[tilespmem:v63+s24+$0x0] =	vst.idx.msk $0xffff, v12  }
0x1da: {  	s0 =	rddreg [dreg:$0x9];
	[tilespmem:$0x89B0] =	vst v9  }
0x1db: {  	[hbm4b:s0+s2] =	stream.linear.scatter [tilespmem:s24], [sflag:$0x1], $0x2000, $0x38;
	[tilespmem:$0x8A00] =	vst v63  }
0x1dc: {  	s1 =	simm.s32 $0x8980;
	s30 =	rddreg [dreg:$0xa]  }
0x1dd: {  	[hbm4b:s30+s2] =	stream.linear.scatter [tilespmem:s1], [sflag:$0x2], $0x40, $0x38;
	[tilespmem:$0x8A00] =	vst v63  }
0x1de: {  	_ =	swait.ge [sflag:s16], $0x2000  }
0x1df: {  	[sflag:s16] =	ssyncset.done $0x0  }
0x1e0: {  	[sflag:s16] =	ssyncadd.s32 $0xFFFFE000  }
0x1e1: {  	_ =	swait.ge [sflag:s20], $0x40  }
0x1e2: {  	s26 =	sadd.s32 $0x1, s26;
	s31 =	rddreg [dreg:$0xb]  }
0x1e3: {  	p0 =	sne.s32 s26, s31  }
.Ltmp3:
0x1e4: {  	_ = 	snop;
	(pc) =	sbr.rel @p0 .LBB2_1-.Ltmp3, $3  }
0x1e5: {  	_ =	sdelay $0x1  }
0x1e6: {  	[sflag:s20] =	ssyncset.done $0x0  }
0x1e7: {  	[sflag:s20] =	ssyncadd.s32 $0xFFFFFFC0  }
0x1e8: {  	_ =	sfence.sel $0x180000  }
0x1e9: {  	[bflag:$0x0] =	sbarrier.arrive $0xFFFF  }
0x1ea: {  	_ =	strace $0x90000047  }
0x1eb: {  	s0 =	stileid.u32;
	[bflag:$0x2] =	sbarrier.arrive $0xFFFF  }
0x1ec: {  	p0 =	sne.s32 s0, $0x0;
	s0 =	rddreg [dreg:$0x3]  }
0x1ed: {  	s0 =	sadd.s32 @!p0 $0x100000, s0  }
0x1ee: {  	[sflag:s0] =	ssyncadd.tile.s32 @!p0 $0x1;
	_ =	shalt  }
.Lfunc_end2:
_tile_overlayer_lowered:
.L_overlay_start_2:
0x1ef: {  	(tag) =	ssettag $0x2  }
0x1f0: {  	s0 =	rddreg [dreg:$0x0];
	s2 =	stileid.u32  }
0x1f1: {  	s1 =	rddreg [dreg:$0x1];
	p0 =	sne.s32 s2, $0x0  }
0x1f2: {  	s3 =	rddreg [dreg:$0x2];
	[bflag:$0x3] =	sbarrier.arrive $0xFFFF;
	s2 =	simm.s32 @!p0 $0x1C04  }
0x1f3: {  	[timem:s3], [sflag:s2] =	dma.local @!p0 [hbm:s0], s1  }
0x1f4: {  	s0 =	simm.s32 @!p0 $0x4  }
0x1f5: {  	_ =	swait.ge @!p0 [sflag:s0], s1  }
0x1f6: {  	s1 =	ssub.s32 @!p0 $0x0, s1;
	[sflag:s0] =	ssyncset.done @!p0 $0x0  }
0x1f7: {  	[sflag:s0] =	ssyncadd.s32 @!p0 s1  }
0x1f8: {  	[bflag:$0x3] =	sbarrier.arrive $0xFFFF  }
0x1f9: {  	_ =	shalt  }

</sc_bundles>
